<compile_context>
chip_gen: v7x
topology: tpu7x:2x2x1
jax: 0.10.2.dev20260603
libtpu: 0.0.44.dev20260713+nightly
codegen_flags: <defaults>
</compile_context>

<pallas_src>
import functools

import jax
import jax.numpy as jnp
from jax import lax
from jax.experimental import pallas as pl
from jax.experimental.pallas import tpu as pltpu
from jax.experimental.pallas import tpu_sc as plsc


def _gather_sum(x3, table, B, CH, CL, D):
  info = plsc.get_sparse_core_info()
  NC, NS = info.num_cores, info.num_subcores
  NW = NC * NS
  assert B % NW == 0
  SPW = B // NW
  assert SPW % 2 == 0
  NV = D // 16
  NSLOT = 8

  mesh = plsc.VectorSubcoreMesh(core_axis_name="c", subcore_axis_name="s")

  @functools.partial(
      pl.kernel,
      mesh=mesh,
      out_type=jax.ShapeDtypeStruct((B, D), jnp.float32),
      scratch_types=[
          pltpu.VMEM((SPW * CH * CL,), jnp.int32),
          pltpu.VMEM((NSLOT, CL, D), jnp.float32),
          pltpu.VMEM((SPW, D), jnp.float32),
          pltpu.SemaphoreType.DMA((NSLOT,)),
      ],
  )
  def k(x_hbm, table_hbm, out_hbm, idx_v, rows_v, acc_v, sems):
    cid = lax.axis_index("c")
    sid = lax.axis_index("s")
    wid = sid * NC + cid
    base = wid * SPW

    pltpu.sync_copy(x_hbm.at[pl.ds(base * CH * CL, SPW * CH * CL)], idx_v)
    zero = jnp.zeros((16,), jnp.float32)

    def zero_buf(slot):
      def zb(r, c):
        for j in range(NV):
          rows_v[slot, r, pl.ds(j * 16, 16)] = zero
        return c

      lax.fori_loop(0, CL, zb, 0)

    for sl in range(NSLOT):
      zero_buf(sl)

    def step(i, carry):
      slot = i % NSLOT

      @pl.when(i >= NSLOT)
      def _():
        si = i - NSLOT

        def db(ch, c):
          pltpu.make_async_copy(
              table_hbm.at[idx_v.at[pl.ds(0, CL)]],
              rows_v.at[slot],
              sems.at[slot],
          ).wait()
          return c

        lax.fori_loop(0, CH, db, 0)

        def body(r, acc):
          out = []
          for j in range(NV):
            out.append(acc[j] + rows_v[slot, r, pl.ds(j * 16, 16)])
          for j in range(NV):
            rows_v[slot, r, pl.ds(j * 16, 16)] = zero
          return tuple(out)

        acc = lax.fori_loop(0, CL, body, (zero,) * NV)
        for j in range(NV):
          acc_v[si, pl.ds(j * 16, 16)] = acc[j]

      @pl.when(i < SPW)
      def _():
        def fb(ch, c):
          pltpu.async_copy(
              table_hbm.at[idx_v.at[pl.ds((i * CH + ch) * CL, CL)]],
              rows_v.at[slot],
              sems.at[slot],
              add=True,
          )
          return c

        lax.fori_loop(0, CH, fb, 0)

      return carry

    lax.fori_loop(0, SPW + NSLOT, step, 0)
    pltpu.sync_copy(acc_v, out_hbm.at[pl.ds(base, SPW)])

  return k(x3, table)


def _mlp_body(rep_ref, len_ref, w1t_ref, b1_ref, w2t_ref, b2_ref, out_ref):
  rep = rep_ref[...] / len_ref[...]
  h = jnp.dot(rep, w1t_ref[...], preferred_element_type=jnp.float32)
  h = jnp.maximum(h + b1_ref[...], 0.0)
  out = jnp.dot(h, w2t_ref[...], preferred_element_type=jnp.float32)
  out_ref[...] = out + b2_ref[...]


def kernel(x, lengths, table, W1, b1, W2, b2):
  B, L = x.shape
  D = table.shape[1]
  H = W1.shape[0]
  O = W2.shape[0]

  CL = max((r for r in range(8, 65, 8) if L % r == 0), default=L)
  CH = L // CL
  x3 = x.reshape(B * L)

  rep_sum = _gather_sum(x3, table, B, CH, CL, D)

  lens = lengths.astype(jnp.float32).reshape(B, 1)
  logits = pl.pallas_call(
      _mlp_body,
      out_shape=jax.ShapeDtypeStruct((B, O), jnp.float32),
  )(rep_sum, lens, W1.T, b1.reshape(1, H), W2.T, b2.reshape(1, O))
  return logits

# --- scband reference (transcript-rebuilt; emitter-appended) ---
"""Pipeline reference for scband-baseline-dnn-4320737100175 (READ-ONLY COPY).

The authoritative reference and input builder live on the scoring server;
editing this copy changes nothing except your own understanding.
"""

import jax, jax.numpy as jnp
import numpy as np

VOCAB = 100000
EMBED_DIM = 128
HIDDEN = 128
OUT = 5
B = 4096
L = 200


def setup_inputs(seed: int = 0) -> dict:
    key = jax.random.key(seed)
    ks = jax.random.split(key, 8)
    x = jax.random.randint(ks[0], (B, L), 0, VOCAB, dtype=jnp.int32)
    # lengths must be >= 1 to avoid division by zero (as in real padded batches)
    lengths = jax.random.randint(ks[1], (B,), 1, L + 1, dtype=jnp.int32)
    table = jax.random.normal(ks[2], (VOCAB, EMBED_DIM), dtype=jnp.float32)
    W1 = jax.random.normal(ks[3], (HIDDEN, EMBED_DIM), dtype=jnp.float32) * 0.05
    b1 = jnp.zeros((HIDDEN,), dtype=jnp.float32)
    W2 = jax.random.normal(ks[4], (OUT, HIDDEN), dtype=jnp.float32) * 0.05
    b2 = jnp.zeros((OUT,), dtype=jnp.float32)
    return {"x": x, "lengths": lengths, "table": table, "W1": W1, "b1": b1, "W2": W2, "b2": b2}


def reference(x, lengths, table, W1, b1, W2, b2):
    # nn.Embedding lookup -> gather rows of the pretrained table
    emb = jnp.take(table, x, axis=0)  # [B, L, D]
    # per-sample sum over time divided by true length (vectorized form of the python loop)
    representations = jnp.sum(emb, axis=1) / lengths[:, None].astype(jnp.float32)  # [B, D]
    h = jax.nn.relu(representations @ W1.T + b1)  # linear1 + relu
    logits = h @ W2.T + b2  # linear2
    return logits

if __name__ == "__main__":
    import jax
    _d = setup_inputs()
    print(jax.jit(kernel)(*tuple(_d.values())))

</pallas_src>

<mosaic_0001>
#map = affine_map<(d0, d1) -> (0)>
#map1 = affine_map<(d0, d1) -> (0, 0)>
module attributes {stable_mosaic.version = 14 : i64} {
  func.func @k(%arg0: i32, %arg1: i32, %arg2: memref<819200xi32, #tpu.memory_space<hbm>>, %arg3: memref<100000x128xf32, #tpu.memory_space<hbm>>, %arg4: memref<4096x128xf32, #tpu.memory_space<hbm>>, %arg5: memref<25600xi32, #tpu.memory_space<vmem>>, %arg6: memref<8x40x128xf32, #tpu.memory_space<vmem>>, %arg7: memref<128x128xf32, #tpu.memory_space<vmem>>, %arg8: memref<8x!tpu.dma_semaphore, #tpu.memory_space<semaphore_mem>>) attributes {dimension_semantics = [#tpu.dimension_semantics<core_parallel>, #tpu.dimension_semantics<subcore_parallel>], iteration_bounds = array<i64: 2, 16>, scalar_prefetch = 0 : i64, scratch_operands = 4 : i64, tpu.core_type = #tpu.core_type<sc_vector_subcore>, window_params = [{transform_indices = #map}, {transform_indices = #map1}, {transform_indices = #map1}]} {
    %mul3A = arith.constant 2 : i32
    %mul3A_0 = arith.muli %arg1, %mul3A : i32
    %add3A = arith.addi %mul3A_0, %arg0 : i32
    %mul3A_1 = arith.constant 128 : i32
    %mul3A_2 = arith.muli %add3A, %mul3A_1 : i32
    %mul3A_3 = arith.constant 5 : i32
    %mul3A_4 = arith.muli %mul3A_2, %mul3A_3 : i32
    %mul3A_5 = arith.constant 40 : i32
    %mul3A_6 = arith.muli %mul3A_4, %mul3A_5 : i32
    "tpu.region"() ({
      %run_scoped3A = tpu.sem_alloc : memref<!tpu.dma_semaphore, #tpu.memory_space<semaphore_mem>>
      %dma_start3A = tpu.memref_slice %arg2[%mul3A_6] : memref<819200xi32, #tpu.memory_space<hbm>> -> memref<25600xi32, #tpu.memory_space<hbm>>
      %dma_start3A_61 = tpu.memref_slice %arg2[%mul3A_6] : memref<819200xi32, #tpu.memory_space<hbm>> -> memref<25600xi32, #tpu.memory_space<hbm>>
      tpu.enqueue_dma source(%dma_start3A_61 : memref<25600xi32, #tpu.memory_space<hbm>>) target(%arg5 : memref<25600xi32, #tpu.memory_space<vmem>>) target_semaphore(%run_scoped3A : memref<!tpu.dma_semaphore, #tpu.memory_space<semaphore_mem>>)
      %dma_wait3A = tpu.memref_slice %arg2[%mul3A_6] : memref<819200xi32, #tpu.memory_space<hbm>> -> memref<25600xi32, #tpu.memory_space<hbm>>
      %dma_wait3A_62 = tpu.memref_slice %arg2[%mul3A_6] : memref<819200xi32, #tpu.memory_space<hbm>> -> memref<25600xi32, #tpu.memory_space<hbm>>
      tpu.wait_dma2 semaphore(%run_scoped3A : memref<!tpu.dma_semaphore, #tpu.memory_space<semaphore_mem>>) src(%dma_wait3A_62 : memref<25600xi32, #tpu.memory_space<hbm>>) dst(%arg5 : memref<25600xi32, #tpu.memory_space<vmem>>)
      tpu.yield
    }) : () -> ()
    %broadcast_in_dim3A = arith.constant 0.000000e+00 : f32
    %broadcast_in_dim3A_7 = vector.broadcast %broadcast_in_dim3A : f32 to vector<16xf32>
    %scan3A = arith.constant 0 : i32
    %scan3A_8 = arith.constant 0 : i32
    %scan3A_9 = arith.constant 40 : i32
    %scan3A_10 = arith.addi %scan3A_8, %scan3A_9 : i32
    %scan3A_11 = arith.constant 1 : i32
    scf.for %scan3A_61 = %scan3A_8 to %scan3A_10 step %scan3A_11  : i32 {
      %swap3A = arith.constant 0 : i32
      %swap3A_62 = arith.index_cast %swap3A : i32 to index
      %swap3A_63 = arith.index_cast %scan3A_61 : i32 to index
      %swap3A_64 = arith.constant 0 : index
      %swap3A_65 = tpu.vector_load %arg6[%swap3A_62, %swap3A_63, %swap3A_64] {strides = array<i32>} : memref<8x40x128xf32, #tpu.memory_space<vmem>>, vector<1x1x16xf32>,
      %swap3A_66 = vector.shape_cast %swap3A_65 : vector<1x1x16xf32> to vector<16xf32>
      %swap3A_67 = vector.shape_cast %broadcast_in_dim3A_7 : vector<16xf32> to vector<1x1x16xf32>
      tpu.vector_store %arg6[%swap3A_62, %swap3A_63, %swap3A_64], %swap3A_67 {strides = array<i32>} : memref<8x40x128xf32, #tpu.memory_space<vmem>>, vector<1x1x16xf32>,
      %swap3A_68 = arith.constant 0 : i32
      %swap3A_69 = arith.index_cast %swap3A_68 : i32 to index
      %swap3A_70 = arith.index_cast %scan3A_61 : i32 to index
      %swap3A_71 = arith.constant 16 : index
      %swap3A_72 = tpu.vector_load %arg6[%swap3A_69, %swap3A_70, %swap3A_71] {strides = array<i32>} : memref<8x40x128xf32, #tpu.memory_space<vmem>>, vector<1x1x16xf32>,
      %swap3A_73 = vector.shape_cast %swap3A_72 : vector<1x1x16xf32> to vector<16xf32>
      %swap3A_74 = vector.shape_cast %broadcast_in_dim3A_7 : vector<16xf32> to vector<1x1x16xf32>
      tpu.vector_store %arg6[%swap3A_69, %swap3A_70, %swap3A_71], %swap3A_74 {strides = array<i32>} : memref<8x40x128xf32, #tpu.memory_space<vmem>>, vector<1x1x16xf32>,
      %swap3A_75 = arith.constant 0 : i32
      %swap3A_76 = arith.index_cast %swap3A_75 : i32 to index
      %swap3A_77 = arith.index_cast %scan3A_61 : i32 to index
      %swap3A_78 = arith.constant 32 : index
      %swap3A_79 = tpu.vector_load %arg6[%swap3A_76, %swap3A_77, %swap3A_78] {strides = array<i32>} : memref<8x40x128xf32, #tpu.memory_space<vmem>>, vector<1x1x16xf32>,
      %swap3A_80 = vector.shape_cast %swap3A_79 : vector<1x1x16xf32> to vector<16xf32>
      %swap3A_81 = vector.shape_cast %broadcast_in_dim3A_7 : vector<16xf32> to vector<1x1x16xf32>
      tpu.vector_store %arg6[%swap3A_76, %swap3A_77, %swap3A_78], %swap3A_81 {strides = array<i32>} : memref<8x40x128xf32, #tpu.memory_space<vmem>>, vector<1x1x16xf32>,
      %swap3A_82 = arith.constant 0 : i32
      %swap3A_83 = arith.index_cast %swap3A_82 : i32 to index
      %swap3A_84 = arith.index_cast %scan3A_61 : i32 to index
      %swap3A_85 = arith.constant 48 : index
      %swap3A_86 = tpu.vector_load %arg6[%swap3A_83, %swap3A_84, %swap3A_85] {strides = array<i32>} : memref<8x40x128xf32, #tpu.memory_space<vmem>>, vector<1x1x16xf32>,
      %swap3A_87 = vector.shape_cast %swap3A_86 : vector<1x1x16xf32> to vector<16xf32>
      %swap3A_88 = vector.shape_cast %broadcast_in_dim3A_7 : vector<16xf32> to vector<1x1x16xf32>
      tpu.vector_store %arg6[%swap3A_83, %swap3A_84, %swap3A_85], %swap3A_88 {strides = array<i32>} : memref<8x40x128xf32, #tpu.memory_space<vmem>>, vector<1x1x16xf32>,
      %swap3A_89 = arith.constant 0 : i32
      %swap3A_90 = arith.index_cast %swap3A_89 : i32 to index
      %swap3A_91 = arith.index_cast %scan3A_61 : i32 to index
      %swap3A_92 = arith.constant 64 : index
      %swap3A_93 = tpu.vector_load %arg6[%swap3A_90, %swap3A_91, %swap3A_92] {strides = array<i32>} : memref<8x40x128xf32, #tpu.memory_space<vmem>>, vector<1x1x16xf32>,
      %swap3A_94 = vector.shape_cast %swap3A_93 : vector<1x1x16xf32> to vector<16xf32>
      %swap3A_95 = vector.shape_cast %broadcast_in_dim3A_7 : vector<16xf32> to vector<1x1x16xf32>
      tpu.vector_store %arg6[%swap3A_90, %swap3A_91, %swap3A_92], %swap3A_95 {strides = array<i32>} : memref<8x40x128xf32, #tpu.memory_space<vmem>>, vector<1x1x16xf32>,
      %swap3A_96 = arith.constant 0 : i32
      %swap3A_97 = arith.index_cast %swap3A_96 : i32 to index
      %swap3A_98 = arith.index_cast %scan3A_61 : i32 to index
      %swap3A_99 = arith.constant 80 : index
      %swap3A_100 = tpu.vector_load %arg6[%swap3A_97, %swap3A_98, %swap3A_99] {strides = array<i32>} : memref<8x40x128xf32, #tpu.memory_space<vmem>>, vector<1x1x16xf32>,
      %swap3A_101 = vector.shape_cast %swap3A_100 : vector<1x1x16xf32> to vector<16xf32>
      %swap3A_102 = vector.shape_cast %broadcast_in_dim3A_7 : vector<16xf32> to vector<1x1x16xf32>
      tpu.vector_store %arg6[%swap3A_97, %swap3A_98, %swap3A_99], %swap3A_102 {strides = array<i32>} : memref<8x40x128xf32, #tpu.memory_space<vmem>>, vector<1x1x16xf32>,
      %swap3A_103 = arith.constant 0 : i32
      %swap3A_104 = arith.index_cast %swap3A_103 : i32 to index
      %swap3A_105 = arith.index_cast %scan3A_61 : i32 to index
      %swap3A_106 = arith.constant 96 : index
      %swap3A_107 = tpu.vector_load %arg6[%swap3A_104, %swap3A_105, %swap3A_106] {strides = array<i32>} : memref<8x40x128xf32, #tpu.memory_space<vmem>>, vector<1x1x16xf32>,
      %swap3A_108 = vector.shape_cast %swap3A_107 : vector<1x1x16xf32> to vector<16xf32>
      %swap3A_109 = vector.shape_cast %broadcast_in_dim3A_7 : vector<16xf32> to vector<1x1x16xf32>
      tpu.vector_store %arg6[%swap3A_104, %swap3A_105, %swap3A_106], %swap3A_109 {strides = array<i32>} : memref<8x40x128xf32, #tpu.memory_space<vmem>>, vector<1x1x16xf32>,
      %swap3A_110 = arith.constant 0 : i32
      %swap3A_111 = arith.index_cast %swap3A_110 : i32 to index
      %swap3A_112 = arith.index_cast %scan3A_61 : i32 to index
      %swap3A_113 = arith.constant 112 : index
      %swap3A_114 = tpu.vector_load %arg6[%swap3A_111, %swap3A_112, %swap3A_113] {strides = array<i32>} : memref<8x40x128xf32, #tpu.memory_space<vmem>>, vector<1x1x16xf32>,
      %swap3A_115 = vector.shape_cast %swap3A_114 : vector<1x1x16xf32> to vector<16xf32>
      %swap3A_116 = vector.shape_cast %broadcast_in_dim3A_7 : vector<16xf32> to vector<1x1x16xf32>
      tpu.vector_store %arg6[%swap3A_111, %swap3A_112, %swap3A_113], %swap3A_116 {strides = array<i32>} : memref<8x40x128xf32, #tpu.memory_space<vmem>>, vector<1x1x16xf32>,
    }
    %scan3A_12 = arith.constant 40 : i32
    %scan3A_13 = arith.constant 0 : i32
    %scan3A_14 = arith.constant 0 : i32
    %scan3A_15 = arith.constant 40 : i32
    %scan3A_16 = arith.addi %scan3A_14, %scan3A_15 : i32
    %scan3A_17 = arith.constant 1 : i32
    scf.for %scan3A_61 = %scan3A_14 to %scan3A_16 step %scan3A_17  : i32 {
      %swap3A = arith.constant 1 : i32
      %swap3A_62 = arith.index_cast %swap3A : i32 to index
      %swap3A_63 = arith.index_cast %scan3A_61 : i32 to index
      %swap3A_64 = arith.constant 0 : index
      %swap3A_65 = tpu.vector_load %arg6[%swap3A_62, %swap3A_63, %swap3A_64] {strides = array<i32>} : memref<8x40x128xf32, #tpu.memory_space<vmem>>, vector<1x1x16xf32>,
      %swap3A_66 = vector.shape_cast %swap3A_65 : vector<1x1x16xf32> to vector<16xf32>
      %swap3A_67 = vector.shape_cast %broadcast_in_dim3A_7 : vector<16xf32> to vector<1x1x16xf32>
      tpu.vector_store %arg6[%swap3A_62, %swap3A_63, %swap3A_64], %swap3A_67 {strides = array<i32>} : memref<8x40x128xf32, #tpu.memory_space<vmem>>, vector<1x1x16xf32>,
      %swap3A_68 = arith.constant 1 : i32
      %swap3A_69 = arith.index_cast %swap3A_68 : i32 to index
      %swap3A_70 = arith.index_cast %scan3A_61 : i32 to index
      %swap3A_71 = arith.constant 16 : index
      %swap3A_72 = tpu.vector_load %arg6[%swap3A_69, %swap3A_70, %swap3A_71] {strides = array<i32>} : memref<8x40x128xf32, #tpu.memory_space<vmem>>, vector<1x1x16xf32>,
      %swap3A_73 = vector.shape_cast %swap3A_72 : vector<1x1x16xf32> to vector<16xf32>
      %swap3A_74 = vector.shape_cast %broadcast_in_dim3A_7 : vector<16xf32> to vector<1x1x16xf32>
      tpu.vector_store %arg6[%swap3A_69, %swap3A_70, %swap3A_71], %swap3A_74 {strides = array<i32>} : memref<8x40x128xf32, #tpu.memory_space<vmem>>, vector<1x1x16xf32>,
      %swap3A_75 = arith.constant 1 : i32
      %swap3A_76 = arith.index_cast %swap3A_75 : i32 to index
      %swap3A_77 = arith.index_cast %scan3A_61 : i32 to index
      %swap3A_78 = arith.constant 32 : index
      %swap3A_79 = tpu.vector_load %arg6[%swap3A_76, %swap3A_77, %swap3A_78] {strides = array<i32>} : memref<8x40x128xf32, #tpu.memory_space<vmem>>, vector<1x1x16xf32>,
      %swap3A_80 = vector.shape_cast %swap3A_79 : vector<1x1x16xf32> to vector<16xf32>
      %swap3A_81 = vector.shape_cast %broadcast_in_dim3A_7 : vector<16xf32> to vector<1x1x16xf32>
      tpu.vector_store %arg6[%swap3A_76, %swap3A_77, %swap3A_78], %swap3A_81 {strides = array<i32>} : memref<8x40x128xf32, #tpu.memory_space<vmem>>, vector<1x1x16xf32>,
      %swap3A_82 = arith.constant 1 : i32
      %swap3A_83 = arith.index_cast %swap3A_82 : i32 to index
      %swap3A_84 = arith.index_cast %scan3A_61 : i32 to index
      %swap3A_85 = arith.constant 48 : index
      %swap3A_86 = tpu.vector_load %arg6[%swap3A_83, %swap3A_84, %swap3A_85] {strides = array<i32>} : memref<8x40x128xf32, #tpu.memory_space<vmem>>, vector<1x1x16xf32>,
      %swap3A_87 = vector.shape_cast %swap3A_86 : vector<1x1x16xf32> to vector<16xf32>
      %swap3A_88 = vector.shape_cast %broadcast_in_dim3A_7 : vector<16xf32> to vector<1x1x16xf32>
      tpu.vector_store %arg6[%swap3A_83, %swap3A_84, %swap3A_85], %swap3A_88 {strides = array<i32>} : memref<8x40x128xf32, #tpu.memory_space<vmem>>, vector<1x1x16xf32>,
      %swap3A_89 = arith.constant 1 : i32
      %swap3A_90 = arith.index_cast %swap3A_89 : i32 to index
      %swap3A_91 = arith.index_cast %scan3A_61 : i32 to index
      %swap3A_92 = arith.constant 64 : index
      %swap3A_93 = tpu.vector_load %arg6[%swap3A_90, %swap3A_91, %swap3A_92] {strides = array<i32>} : memref<8x40x128xf32, #tpu.memory_space<vmem>>, vector<1x1x16xf32>,
      %swap3A_94 = vector.shape_cast %swap3A_93 : vector<1x1x16xf32> to vector<16xf32>
      %swap3A_95 = vector.shape_cast %broadcast_in_dim3A_7 : vector<16xf32> to vector<1x1x16xf32>
      tpu.vector_store %arg6[%swap3A_90, %swap3A_91, %swap3A_92], %swap3A_95 {strides = array<i32>} : memref<8x40x128xf32, #tpu.memory_space<vmem>>, vector<1x1x16xf32>,
      %swap3A_96 = arith.constant 1 : i32
      %swap3A_97 = arith.index_cast %swap3A_96 : i32 to index
      %swap3A_98 = arith.index_cast %scan3A_61 : i32 to index
      %swap3A_99 = arith.constant 80 : index
      %swap3A_100 = tpu.vector_load %arg6[%swap3A_97, %swap3A_98, %swap3A_99] {strides = array<i32>} : memref<8x40x128xf32, #tpu.memory_space<vmem>>, vector<1x1x16xf32>,
      %swap3A_101 = vector.shape_cast %swap3A_100 : vector<1x1x16xf32> to vector<16xf32>
      %swap3A_102 = vector.shape_cast %broadcast_in_dim3A_7 : vector<16xf32> to vector<1x1x16xf32>
      tpu.vector_store %arg6[%swap3A_97, %swap3A_98, %swap3A_99], %swap3A_102 {strides = array<i32>} : memref<8x40x128xf32, #tpu.memory_space<vmem>>, vector<1x1x16xf32>,
      %swap3A_103 = arith.constant 1 : i32
      %swap3A_104 = arith.index_cast %swap3A_103 : i32 to index
      %swap3A_105 = arith.index_cast %scan3A_61 : i32 to index
      %swap3A_106 = arith.constant 96 : index
      %swap3A_107 = tpu.vector_load %arg6[%swap3A_104, %swap3A_105, %swap3A_106] {strides = array<i32>} : memref<8x40x128xf32, #tpu.memory_space<vmem>>, vector<1x1x16xf32>,
      %swap3A_108 = vector.shape_cast %swap3A_107 : vector<1x1x16xf32> to vector<16xf32>
      %swap3A_109 = vector.shape_cast %broadcast_in_dim3A_7 : vector<16xf32> to vector<1x1x16xf32>
      tpu.vector_store %arg6[%swap3A_104, %swap3A_105, %swap3A_106], %swap3A_109 {strides = array<i32>} : memref<8x40x128xf32, #tpu.memory_space<vmem>>, vector<1x1x16xf32>,
      %swap3A_110 = arith.constant 1 : i32
      %swap3A_111 = arith.index_cast %swap3A_110 : i32 to index
      %swap3A_112 = arith.index_cast %scan3A_61 : i32 to index
      %swap3A_113 = arith.constant 112 : index
      %swap3A_114 = tpu.vector_load %arg6[%swap3A_111, %swap3A_112, %swap3A_113] {strides = array<i32>} : memref<8x40x128xf32, #tpu.memory_space<vmem>>, vector<1x1x16xf32>,
      %swap3A_115 = vector.shape_cast %swap3A_114 : vector<1x1x16xf32> to vector<16xf32>
      %swap3A_116 = vector.shape_cast %broadcast_in_dim3A_7 : vector<16xf32> to vector<1x1x16xf32>
      tpu.vector_store %arg6[%swap3A_111, %swap3A_112, %swap3A_113], %swap3A_116 {strides = array<i32>} : memref<8x40x128xf32, #tpu.memory_space<vmem>>, vector<1x1x16xf32>,
    }
    %scan3A_18 = arith.constant 40 : i32
    %scan3A_19 = arith.constant 0 : i32
    %scan3A_20 = arith.constant 0 : i32
    %scan3A_21 = arith.constant 40 : i32
    %scan3A_22 = arith.addi %scan3A_20, %scan3A_21 : i32
    %scan3A_23 = arith.constant 1 : i32
    scf.for %scan3A_61 = %scan3A_20 to %scan3A_22 step %scan3A_23  : i32 {
      %swap3A = arith.constant 2 : i32
      %swap3A_62 = arith.index_cast %swap3A : i32 to index
      %swap3A_63 = arith.index_cast %scan3A_61 : i32 to index
      %swap3A_64 = arith.constant 0 : index
      %swap3A_65 = tpu.vector_load %arg6[%swap3A_62, %swap3A_63, %swap3A_64] {strides = array<i32>} : memref<8x40x128xf32, #tpu.memory_space<vmem>>, vector<1x1x16xf32>,
      %swap3A_66 = vector.shape_cast %swap3A_65 : vector<1x1x16xf32> to vector<16xf32>
      %swap3A_67 = vector.shape_cast %broadcast_in_dim3A_7 : vector<16xf32> to vector<1x1x16xf32>
      tpu.vector_store %arg6[%swap3A_62, %swap3A_63, %swap3A_64], %swap3A_67 {strides = array<i32>} : memref<8x40x128xf32, #tpu.memory_space<vmem>>, vector<1x1x16xf32>,
      %swap3A_68 = arith.constant 2 : i32
      %swap3A_69 = arith.index_cast %swap3A_68 : i32 to index
      %swap3A_70 = arith.index_cast %scan3A_61 : i32 to index
      %swap3A_71 = arith.constant 16 : index
      %swap3A_72 = tpu.vector_load %arg6[%swap3A_69, %swap3A_70, %swap3A_71] {strides = array<i32>} : memref<8x40x128xf32, #tpu.memory_space<vmem>>, vector<1x1x16xf32>,
      %swap3A_73 = vector.shape_cast %swap3A_72 : vector<1x1x16xf32> to vector<16xf32>
      %swap3A_74 = vector.shape_cast %broadcast_in_dim3A_7 : vector<16xf32> to vector<1x1x16xf32>
      tpu.vector_store %arg6[%swap3A_69, %swap3A_70, %swap3A_71], %swap3A_74 {strides = array<i32>} : memref<8x40x128xf32, #tpu.memory_space<vmem>>, vector<1x1x16xf32>,
      %swap3A_75 = arith.constant 2 : i32
      %swap3A_76 = arith.index_cast %swap3A_75 : i32 to index
      %swap3A_77 = arith.index_cast %scan3A_61 : i32 to index
      %swap3A_78 = arith.constant 32 : index
      %swap3A_79 = tpu.vector_load %arg6[%swap3A_76, %swap3A_77, %swap3A_78] {strides = array<i32>} : memref<8x40x128xf32, #tpu.memory_space<vmem>>, vector<1x1x16xf32>,
      %swap3A_80 = vector.shape_cast %swap3A_79 : vector<1x1x16xf32> to vector<16xf32>
      %swap3A_81 = vector.shape_cast %broadcast_in_dim3A_7 : vector<16xf32> to vector<1x1x16xf32>
      tpu.vector_store %arg6[%swap3A_76, %swap3A_77, %swap3A_78], %swap3A_81 {strides = array<i32>} : memref<8x40x128xf32, #tpu.memory_space<vmem>>, vector<1x1x16xf32>,
      %swap3A_82 = arith.constant 2 : i32
      %swap3A_83 = arith.index_cast %swap3A_82 : i32 to index
      %swap3A_84 = arith.index_cast %scan3A_61 : i32 to index
      %swap3A_85 = arith.constant 48 : index
      %swap3A_86 = tpu.vector_load %arg6[%swap3A_83, %swap3A_84, %swap3A_85] {strides = array<i32>} : memref<8x40x128xf32, #tpu.memory_space<vmem>>, vector<1x1x16xf32>,
      %swap3A_87 = vector.shape_cast %swap3A_86 : vector<1x1x16xf32> to vector<16xf32>
      %swap3A_88 = vector.shape_cast %broadcast_in_dim3A_7 : vector<16xf32> to vector<1x1x16xf32>
      tpu.vector_store %arg6[%swap3A_83, %swap3A_84, %swap3A_85], %swap3A_88 {strides = array<i32>} : memref<8x40x128xf32, #tpu.memory_space<vmem>>, vector<1x1x16xf32>,
      %swap3A_89 = arith.constant 2 : i32
      %swap3A_90 = arith.index_cast %swap3A_89 : i32 to index
      %swap3A_91 = arith.index_cast %scan3A_61 : i32 to index
      %swap3A_92 = arith.constant 64 : index
      %swap3A_93 = tpu.vector_load %arg6[%swap3A_90, %swap3A_91, %swap3A_92] {strides = array<i32>} : memref<8x40x128xf32, #tpu.memory_space<vmem>>, vector<1x1x16xf32>,
      %swap3A_94 = vector.shape_cast %swap3A_93 : vector<1x1x16xf32> to vector<16xf32>
      %swap3A_95 = vector.shape_cast %broadcast_in_dim3A_7 : vector<16xf32> to vector<1x1x16xf32>
      tpu.vector_store %arg6[%swap3A_90, %swap3A_91, %swap3A_92], %swap3A_95 {strides = array<i32>} : memref<8x40x128xf32, #tpu.memory_space<vmem>>, vector<1x1x16xf32>,
      %swap3A_96 = arith.constant 2 : i32
      %swap3A_97 = arith.index_cast %swap3A_96 : i32 to index
      %swap3A_98 = arith.index_cast %scan3A_61 : i32 to index
      %swap3A_99 = arith.constant 80 : index
      %swap3A_100 = tpu.vector_load %arg6[%swap3A_97, %swap3A_98, %swap3A_99] {strides = array<i32>} : memref<8x40x128xf32, #tpu.memory_space<vmem>>, vector<1x1x16xf32>,
      %swap3A_101 = vector.shape_cast %swap3A_100 : vector<1x1x16xf32> to vector<16xf32>
      %swap3A_102 = vector.shape_cast %broadcast_in_dim3A_7 : vector<16xf32> to vector<1x1x16xf32>
      tpu.vector_store %arg6[%swap3A_97, %swap3A_98, %swap3A_99], %swap3A_102 {strides = array<i32>} : memref<8x40x128xf32, #tpu.memory_space<vmem>>, vector<1x1x16xf32>,
      %swap3A_103 = arith.constant 2 : i32
      %swap3A_104 = arith.index_cast %swap3A_103 : i32 to index
      %swap3A_105 = arith.index_cast %scan3A_61 : i32 to index
      %swap3A_106 = arith.constant 96 : index
      %swap3A_107 = tpu.vector_load %arg6[%swap3A_104, %swap3A_105, %swap3A_106] {strides = array<i32>} : memref<8x40x128xf32, #tpu.memory_space<vmem>>, vector<1x1x16xf32>,
      %swap3A_108 = vector.shape_cast %swap3A_107 : vector<1x1x16xf32> to vector<16xf32>
      %swap3A_109 = vector.shape_cast %broadcast_in_dim3A_7 : vector<16xf32> to vector<1x1x16xf32>
      tpu.vector_store %arg6[%swap3A_104, %swap3A_105, %swap3A_106], %swap3A_109 {strides = array<i32>} : memref<8x40x128xf32, #tpu.memory_space<vmem>>, vector<1x1x16xf32>,
      %swap3A_110 = arith.constant 2 : i32
      %swap3A_111 = arith.index_cast %swap3A_110 : i32 to index
      %swap3A_112 = arith.index_cast %scan3A_61 : i32 to index
      %swap3A_113 = arith.constant 112 : index
      %swap3A_114 = tpu.vector_load %arg6[%swap3A_111, %swap3A_112, %swap3A_113] {strides = array<i32>} : memref<8x40x128xf32, #tpu.memory_space<vmem>>, vector<1x1x16xf32>,
      %swap3A_115 = vector.shape_cast %swap3A_114 : vector<1x1x16xf32> to vector<16xf32>
      %swap3A_116 = vector.shape_cast %broadcast_in_dim3A_7 : vector<16xf32> to vector<1x1x16xf32>
      tpu.vector_store %arg6[%swap3A_111, %swap3A_112, %swap3A_113], %swap3A_116 {strides = array<i32>} : memref<8x40x128xf32, #tpu.memory_space<vmem>>, vector<1x1x16xf32>,
    }
    %scan3A_24 = arith.constant 40 : i32
    %scan3A_25 = arith.constant 0 : i32
    %scan3A_26 = arith.constant 0 : i32
    %scan3A_27 = arith.constant 40 : i32
    %scan3A_28 = arith.addi %scan3A_26, %scan3A_27 : i32
    %scan3A_29 = arith.constant 1 : i32
    scf.for %scan3A_61 = %scan3A_26 to %scan3A_28 step %scan3A_29  : i32 {
      %swap3A = arith.constant 3 : i32
      %swap3A_62 = arith.index_cast %swap3A : i32 to index
      %swap3A_63 = arith.index_cast %scan3A_61 : i32 to index
      %swap3A_64 = arith.constant 0 : index
      %swap3A_65 = tpu.vector_load %arg6[%swap3A_62, %swap3A_63, %swap3A_64] {strides = array<i32>} : memref<8x40x128xf32, #tpu.memory_space<vmem>>, vector<1x1x16xf32>,
      %swap3A_66 = vector.shape_cast %swap3A_65 : vector<1x1x16xf32> to vector<16xf32>
      %swap3A_67 = vector.shape_cast %broadcast_in_dim3A_7 : vector<16xf32> to vector<1x1x16xf32>
      tpu.vector_store %arg6[%swap3A_62, %swap3A_63, %swap3A_64], %swap3A_67 {strides = array<i32>} : memref<8x40x128xf32, #tpu.memory_space<vmem>>, vector<1x1x16xf32>,
      %swap3A_68 = arith.constant 3 : i32
      %swap3A_69 = arith.index_cast %swap3A_68 : i32 to index
      %swap3A_70 = arith.index_cast %scan3A_61 : i32 to index
      %swap3A_71 = arith.constant 16 : index
      %swap3A_72 = tpu.vector_load %arg6[%swap3A_69, %swap3A_70, %swap3A_71] {strides = array<i32>} : memref<8x40x128xf32, #tpu.memory_space<vmem>>, vector<1x1x16xf32>,
      %swap3A_73 = vector.shape_cast %swap3A_72 : vector<1x1x16xf32> to vector<16xf32>
      %swap3A_74 = vector.shape_cast %broadcast_in_dim3A_7 : vector<16xf32> to vector<1x1x16xf32>
      tpu.vector_store %arg6[%swap3A_69, %swap3A_70, %swap3A_71], %swap3A_74 {strides = array<i32>} : memref<8x40x128xf32, #tpu.memory_space<vmem>>, vector<1x1x16xf32>,
      %swap3A_75 = arith.constant 3 : i32
      %swap3A_76 = arith.index_cast %swap3A_75 : i32 to index
      %swap3A_77 = arith.index_cast %scan3A_61 : i32 to index
      %swap3A_78 = arith.constant 32 : index
      %swap3A_79 = tpu.vector_load %arg6[%swap3A_76, %swap3A_77, %swap3A_78] {strides = array<i32>} : memref<8x40x128xf32, #tpu.memory_space<vmem>>, vector<1x1x16xf32>,
      %swap3A_80 = vector.shape_cast %swap3A_79 : vector<1x1x16xf32> to vector<16xf32>
      %swap3A_81 = vector.shape_cast %broadcast_in_dim3A_7 : vector<16xf32> to vector<1x1x16xf32>
      tpu.vector_store %arg6[%swap3A_76, %swap3A_77, %swap3A_78], %swap3A_81 {strides = array<i32>} : memref<8x40x128xf32, #tpu.memory_space<vmem>>, vector<1x1x16xf32>,
      %swap3A_82 = arith.constant 3 : i32
      %swap3A_83 = arith.index_cast %swap3A_82 : i32 to index
      %swap3A_84 = arith.index_cast %scan3A_61 : i32 to index
      %swap3A_85 = arith.constant 48 : index
      %swap3A_86 = tpu.vector_load %arg6[%swap3A_83, %swap3A_84, %swap3A_85] {strides = array<i32>} : memref<8x40x128xf32, #tpu.memory_space<vmem>>, vector<1x1x16xf32>,
      %swap3A_87 = vector.shape_cast %swap3A_86 : vector<1x1x16xf32> to vector<16xf32>
      %swap3A_88 = vector.shape_cast %broadcast_in_dim3A_7 : vector<16xf32> to vector<1x1x16xf32>
      tpu.vector_store %arg6[%swap3A_83, %swap3A_84, %swap3A_85], %swap3A_88 {strides = array<i32>} : memref<8x40x128xf32, #tpu.memory_space<vmem>>, vector<1x1x16xf32>,
      %swap3A_89 = arith.constant 3 : i32
      %swap3A_90 = arith.index_cast %swap3A_89 : i32 to index
      %swap3A_91 = arith.index_cast %scan3A_61 : i32 to index
      %swap3A_92 = arith.constant 64 : index
      %swap3A_93 = tpu.vector_load %arg6[%swap3A_90, %swap3A_91, %swap3A_92] {strides = array<i32>} : memref<8x40x128xf32, #tpu.memory_space<vmem>>, vector<1x1x16xf32>,
      %swap3A_94 = vector.shape_cast %swap3A_93 : vector<1x1x16xf32> to vector<16xf32>
      %swap3A_95 = vector.shape_cast %broadcast_in_dim3A_7 : vector<16xf32> to vector<1x1x16xf32>
      tpu.vector_store %arg6[%swap3A_90, %swap3A_91, %swap3A_92], %swap3A_95 {strides = array<i32>} : memref<8x40x128xf32, #tpu.memory_space<vmem>>, vector<1x1x16xf32>,
      %swap3A_96 = arith.constant 3 : i32
      %swap3A_97 = arith.index_cast %swap3A_96 : i32 to index
      %swap3A_98 = arith.index_cast %scan3A_61 : i32 to index
      %swap3A_99 = arith.constant 80 : index
      %swap3A_100 = tpu.vector_load %arg6[%swap3A_97, %swap3A_98, %swap3A_99] {strides = array<i32>} : memref<8x40x128xf32, #tpu.memory_space<vmem>>, vector<1x1x16xf32>,
      %swap3A_101 = vector.shape_cast %swap3A_100 : vector<1x1x16xf32> to vector<16xf32>
      %swap3A_102 = vector.shape_cast %broadcast_in_dim3A_7 : vector<16xf32> to vector<1x1x16xf32>
      tpu.vector_store %arg6[%swap3A_97, %swap3A_98, %swap3A_99], %swap3A_102 {strides = array<i32>} : memref<8x40x128xf32, #tpu.memory_space<vmem>>, vector<1x1x16xf32>,
      %swap3A_103 = arith.constant 3 : i32
      %swap3A_104 = arith.index_cast %swap3A_103 : i32 to index
      %swap3A_105 = arith.index_cast %scan3A_61 : i32 to index
      %swap3A_106 = arith.constant 96 : index
      %swap3A_107 = tpu.vector_load %arg6[%swap3A_104, %swap3A_105, %swap3A_106] {strides = array<i32>} : memref<8x40x128xf32, #tpu.memory_space<vmem>>, vector<1x1x16xf32>,
      %swap3A_108 = vector.shape_cast %swap3A_107 : vector<1x1x16xf32> to vector<16xf32>
      %swap3A_109 = vector.shape_cast %broadcast_in_dim3A_7 : vector<16xf32> to vector<1x1x16xf32>
      tpu.vector_store %arg6[%swap3A_104, %swap3A_105, %swap3A_106], %swap3A_109 {strides = array<i32>} : memref<8x40x128xf32, #tpu.memory_space<vmem>>, vector<1x1x16xf32>,
      %swap3A_110 = arith.constant 3 : i32
      %swap3A_111 = arith.index_cast %swap3A_110 : i32 to index
      %swap3A_112 = arith.index_cast %scan3A_61 : i32 to index
      %swap3A_113 = arith.constant 112 : index
      %swap3A_114 = tpu.vector_load %arg6[%swap3A_111, %swap3A_112, %swap3A_113] {strides = array<i32>} : memref<8x40x128xf32, #tpu.memory_space<vmem>>, vector<1x1x16xf32>,
      %swap3A_115 = vector.shape_cast %swap3A_114 : vector<1x1x16xf32> to vector<16xf32>
      %swap3A_116 = vector.shape_cast %broadcast_in_dim3A_7 : vector<16xf32> to vector<1x1x16xf32>
      tpu.vector_store %arg6[%swap3A_111, %swap3A_112, %swap3A_113], %swap3A_116 {strides = array<i32>} : memref<8x40x128xf32, #tpu.memory_space<vmem>>, vector<1x1x16xf32>,
    }
    %scan3A_30 = arith.constant 40 : i32
    %scan3A_31 = arith.constant 0 : i32
    %scan3A_32 = arith.constant 0 : i32
    %scan3A_33 = arith.constant 40 : i32
    %scan3A_34 = arith.addi %scan3A_32, %scan3A_33 : i32
    %scan3A_35 = arith.constant 1 : i32
    scf.for %scan3A_61 = %scan3A_32 to %scan3A_34 step %scan3A_35  : i32 {
      %swap3A = arith.constant 4 : i32
      %swap3A_62 = arith.index_cast %swap3A : i32 to index
      %swap3A_63 = arith.index_cast %scan3A_61 : i32 to index
      %swap3A_64 = arith.constant 0 : index
      %swap3A_65 = tpu.vector_load %arg6[%swap3A_62, %swap3A_63, %swap3A_64] {strides = array<i32>} : memref<8x40x128xf32, #tpu.memory_space<vmem>>, vector<1x1x16xf32>,
      %swap3A_66 = vector.shape_cast %swap3A_65 : vector<1x1x16xf32> to vector<16xf32>
      %swap3A_67 = vector.shape_cast %broadcast_in_dim3A_7 : vector<16xf32> to vector<1x1x16xf32>
      tpu.vector_store %arg6[%swap3A_62, %swap3A_63, %swap3A_64], %swap3A_67 {strides = array<i32>} : memref<8x40x128xf32, #tpu.memory_space<vmem>>, vector<1x1x16xf32>,
      %swap3A_68 = arith.constant 4 : i32
      %swap3A_69 = arith.index_cast %swap3A_68 : i32 to index
      %swap3A_70 = arith.index_cast %scan3A_61 : i32 to index
      %swap3A_71 = arith.constant 16 : index
      %swap3A_72 = tpu.vector_load %arg6[%swap3A_69, %swap3A_70, %swap3A_71] {strides = array<i32>} : memref<8x40x128xf32, #tpu.memory_space<vmem>>, vector<1x1x16xf32>,
      %swap3A_73 = vector.shape_cast %swap3A_72 : vector<1x1x16xf32> to vector<16xf32>
      %swap3A_74 = vector.shape_cast %broadcast_in_dim3A_7 : vector<16xf32> to vector<1x1x16xf32>
      tpu.vector_store %arg6[%swap3A_69, %swap3A_70, %swap3A_71], %swap3A_74 {strides = array<i32>} : memref<8x40x128xf32, #tpu.memory_space<vmem>>, vector<1x1x16xf32>,
      %swap3A_75 = arith.constant 4 : i32
      %swap3A_76 = arith.index_cast %swap3A_75 : i32 to index
      %swap3A_77 = arith.index_cast %scan3A_61 : i32 to index
      %swap3A_78 = arith.constant 32 : index
      %swap3A_79 = tpu.vector_load %arg6[%swap3A_76, %swap3A_77, %swap3A_78] {strides = array<i32>} : memref<8x40x128xf32, #tpu.memory_space<vmem>>, vector<1x1x16xf32>,
      %swap3A_80 = vector.shape_cast %swap3A_79 : vector<1x1x16xf32> to vector<16xf32>
      %swap3A_81 = vector.shape_cast %broadcast_in_dim3A_7 : vector<16xf32> to vector<1x1x16xf32>
      tpu.vector_store %arg6[%swap3A_76, %swap3A_77, %swap3A_78], %swap3A_81 {strides = array<i32>} : memref<8x40x128xf32, #tpu.memory_space<vmem>>, vector<1x1x16xf32>,
      %swap3A_82 = arith.constant 4 : i32
      %swap3A_83 = arith.index_cast %swap3A_82 : i32 to index
      %swap3A_84 = arith.index_cast %scan3A_61 : i32 to index
      %swap3A_85 = arith.constant 48 : index
      %swap3A_86 = tpu.vector_load %arg6[%swap3A_83, %swap3A_84, %swap3A_85] {strides = array<i32>} : memref<8x40x128xf32, #tpu.memory_space<vmem>>, vector<1x1x16xf32>,
      %swap3A_87 = vector.shape_cast %swap3A_86 : vector<1x1x16xf32> to vector<16xf32>
      %swap3A_88 = vector.shape_cast %broadcast_in_dim3A_7 : vector<16xf32> to vector<1x1x16xf32>
      tpu.vector_store %arg6[%swap3A_83, %swap3A_84, %swap3A_85], %swap3A_88 {strides = array<i32>} : memref<8x40x128xf32, #tpu.memory_space<vmem>>, vector<1x1x16xf32>,
      %swap3A_89 = arith.constant 4 : i32
      %swap3A_90 = arith.index_cast %swap3A_89 : i32 to index
      %swap3A_91 = arith.index_cast %scan3A_61 : i32 to index
      %swap3A_92 = arith.constant 64 : index
      %swap3A_93 = tpu.vector_load %arg6[%swap3A_90, %swap3A_91, %swap3A_92] {strides = array<i32>} : memref<8x40x128xf32, #tpu.memory_space<vmem>>, vector<1x1x16xf32>,
      %swap3A_94 = vector.shape_cast %swap3A_93 : vector<1x1x16xf32> to vector<16xf32>
      %swap3A_95 = vector.shape_cast %broadcast_in_dim3A_7 : vector<16xf32> to vector<1x1x16xf32>
      tpu.vector_store %arg6[%swap3A_90, %swap3A_91, %swap3A_92], %swap3A_95 {strides = array<i32>} : memref<8x40x128xf32, #tpu.memory_space<vmem>>, vector<1x1x16xf32>,
      %swap3A_96 = arith.constant 4 : i32
      %swap3A_97 = arith.index_cast %swap3A_96 : i32 to index
      %swap3A_98 = arith.index_cast %scan3A_61 : i32 to index
      %swap3A_99 = arith.constant 80 : index
      %swap3A_100 = tpu.vector_load %arg6[%swap3A_97, %swap3A_98, %swap3A_99] {strides = array<i32>} : memref<8x40x128xf32, #tpu.memory_space<vmem>>, vector<1x1x16xf32>,
      %swap3A_101 = vector.shape_cast %swap3A_100 : vector<1x1x16xf32> to vector<16xf32>
      %swap3A_102 = vector.shape_cast %broadcast_in_dim3A_7 : vector<16xf32> to vector<1x1x16xf32>
      tpu.vector_store %arg6[%swap3A_97, %swap3A_98, %swap3A_99], %swap3A_102 {strides = array<i32>} : memref<8x40x128xf32, #tpu.memory_space<vmem>>, vector<1x1x16xf32>,
      %swap3A_103 = arith.constant 4 : i32
      %swap3A_104 = arith.index_cast %swap3A_103 : i32 to index
      %swap3A_105 = arith.index_cast %scan3A_61 : i32 to index
      %swap3A_106 = arith.constant 96 : index
      %swap3A_107 = tpu.vector_load %arg6[%swap3A_104, %swap3A_105, %swap3A_106] {strides = array<i32>} : memref<8x40x128xf32, #tpu.memory_space<vmem>>, vector<1x1x16xf32>,
      %swap3A_108 = vector.shape_cast %swap3A_107 : vector<1x1x16xf32> to vector<16xf32>
      %swap3A_109 = vector.shape_cast %broadcast_in_dim3A_7 : vector<16xf32> to vector<1x1x16xf32>
      tpu.vector_store %arg6[%swap3A_104, %swap3A_105, %swap3A_106], %swap3A_109 {strides = array<i32>} : memref<8x40x128xf32, #tpu.memory_space<vmem>>, vector<1x1x16xf32>,
      %swap3A_110 = arith.constant 4 : i32
      %swap3A_111 = arith.index_cast %swap3A_110 : i32 to index
      %swap3A_112 = arith.index_cast %scan3A_61 : i32 to index
      %swap3A_113 = arith.constant 112 : index
      %swap3A_114 = tpu.vector_load %arg6[%swap3A_111, %swap3A_112, %swap3A_113] {strides = array<i32>} : memref<8x40x128xf32, #tpu.memory_space<vmem>>, vector<1x1x16xf32>,
      %swap3A_115 = vector.shape_cast %swap3A_114 : vector<1x1x16xf32> to vector<16xf32>
      %swap3A_116 = vector.shape_cast %broadcast_in_dim3A_7 : vector<16xf32> to vector<1x1x16xf32>
      tpu.vector_store %arg6[%swap3A_111, %swap3A_112, %swap3A_113], %swap3A_116 {strides = array<i32>} : memref<8x40x128xf32, #tpu.memory_space<vmem>>, vector<1x1x16xf32>,
    }
    %scan3A_36 = arith.constant 40 : i32
    %scan3A_37 = arith.constant 0 : i32
    %scan3A_38 = arith.constant 0 : i32
    %scan3A_39 = arith.constant 40 : i32
    %scan3A_40 = arith.addi %scan3A_38, %scan3A_39 : i32
    %scan3A_41 = arith.constant 1 : i32
    scf.for %scan3A_61 = %scan3A_38 to %scan3A_40 step %scan3A_41  : i32 {
      %swap3A = arith.constant 5 : i32
      %swap3A_62 = arith.index_cast %swap3A : i32 to index
      %swap3A_63 = arith.index_cast %scan3A_61 : i32 to index
      %swap3A_64 = arith.constant 0 : index
      %swap3A_65 = tpu.vector_load %arg6[%swap3A_62, %swap3A_63, %swap3A_64] {strides = array<i32>} : memref<8x40x128xf32, #tpu.memory_space<vmem>>, vector<1x1x16xf32>,
      %swap3A_66 = vector.shape_cast %swap3A_65 : vector<1x1x16xf32> to vector<16xf32>
      %swap3A_67 = vector.shape_cast %broadcast_in_dim3A_7 : vector<16xf32> to vector<1x1x16xf32>
      tpu.vector_store %arg6[%swap3A_62, %swap3A_63, %swap3A_64], %swap3A_67 {strides = array<i32>} : memref<8x40x128xf32, #tpu.memory_space<vmem>>, vector<1x1x16xf32>,
      %swap3A_68 = arith.constant 5 : i32
      %swap3A_69 = arith.index_cast %swap3A_68 : i32 to index
      %swap3A_70 = arith.index_cast %scan3A_61 : i32 to index
      %swap3A_71 = arith.constant 16 : index
      %swap3A_72 = tpu.vector_load %arg6[%swap3A_69, %swap3A_70, %swap3A_71] {strides = array<i32>} : memref<8x40x128xf32, #tpu.memory_space<vmem>>, vector<1x1x16xf32>,
      %swap3A_73 = vector.shape_cast %swap3A_72 : vector<1x1x16xf32> to vector<16xf32>
      %swap3A_74 = vector.shape_cast %broadcast_in_dim3A_7 : vector<16xf32> to vector<1x1x16xf32>
      tpu.vector_store %arg6[%swap3A_69, %swap3A_70, %swap3A_71], %swap3A_74 {strides = array<i32>} : memref<8x40x128xf32, #tpu.memory_space<vmem>>, vector<1x1x16xf32>,
      %swap3A_75 = arith.constant 5 : i32
      %swap3A_76 = arith.index_cast %swap3A_75 : i32 to index
      %swap3A_77 = arith.index_cast %scan3A_61 : i32 to index
      %swap3A_78 = arith.constant 32 : index
      %swap3A_79 = tpu.vector_load %arg6[%swap3A_76, %swap3A_77, %swap3A_78] {strides = array<i32>} : memref<8x40x128xf32, #tpu.memory_space<vmem>>, vector<1x1x16xf32>,
      %swap3A_80 = vector.shape_cast %swap3A_79 : vector<1x1x16xf32> to vector<16xf32>
      %swap3A_81 = vector.shape_cast %broadcast_in_dim3A_7 : vector<16xf32> to vector<1x1x16xf32>
      tpu.vector_store %arg6[%swap3A_76, %swap3A_77, %swap3A_78], %swap3A_81 {strides = array<i32>} : memref<8x40x128xf32, #tpu.memory_space<vmem>>, vector<1x1x16xf32>,
      %swap3A_82 = arith.constant 5 : i32
      %swap3A_83 = arith.index_cast %swap3A_82 : i32 to index
      %swap3A_84 = arith.index_cast %scan3A_61 : i32 to index
      %swap3A_85 = arith.constant 48 : index
      %swap3A_86 = tpu.vector_load %arg6[%swap3A_83, %swap3A_84, %swap3A_85] {strides = array<i32>} : memref<8x40x128xf32, #tpu.memory_space<vmem>>, vector<1x1x16xf32>,
      %swap3A_87 = vector.shape_cast %swap3A_86 : vector<1x1x16xf32> to vector<16xf32>
      %swap3A_88 = vector.shape_cast %broadcast_in_dim3A_7 : vector<16xf32> to vector<1x1x16xf32>
      tpu.vector_store %arg6[%swap3A_83, %swap3A_84, %swap3A_85], %swap3A_88 {strides = array<i32>} : memref<8x40x128xf32, #tpu.memory_space<vmem>>, vector<1x1x16xf32>,
      %swap3A_89 = arith.constant 5 : i32
      %swap3A_90 = arith.index_cast %swap3A_89 : i32 to index
      %swap3A_91 = arith.index_cast %scan3A_61 : i32 to index
      %swap3A_92 = arith.constant 64 : index
      %swap3A_93 = tpu.vector_load %arg6[%swap3A_90, %swap3A_91, %swap3A_92] {strides = array<i32>} : memref<8x40x128xf32, #tpu.memory_space<vmem>>, vector<1x1x16xf32>,
      %swap3A_94 = vector.shape_cast %swap3A_93 : vector<1x1x16xf32> to vector<16xf32>
      %swap3A_95 = vector.shape_cast %broadcast_in_dim3A_7 : vector<16xf32> to vector<1x1x16xf32>
      tpu.vector_store %arg6[%swap3A_90, %swap3A_91, %swap3A_92], %swap3A_95 {strides = array<i32>} : memref<8x40x128xf32, #tpu.memory_space<vmem>>, vector<1x1x16xf32>,
      %swap3A_96 = arith.constant 5 : i32
      %swap3A_97 = arith.index_cast %swap3A_96 : i32 to index
      %swap3A_98 = arith.index_cast %scan3A_61 : i32 to index
      %swap3A_99 = arith.constant 80 : index
      %swap3A_100 = tpu.vector_load %arg6[%swap3A_97, %swap3A_98, %swap3A_99] {strides = array<i32>} : memref<8x40x128xf32, #tpu.memory_space<vmem>>, vector<1x1x16xf32>,
      %swap3A_101 = vector.shape_cast %swap3A_100 : vector<1x1x16xf32> to vector<16xf32>
      %swap3A_102 = vector.shape_cast %broadcast_in_dim3A_7 : vector<16xf32> to vector<1x1x16xf32>
      tpu.vector_store %arg6[%swap3A_97, %swap3A_98, %swap3A_99], %swap3A_102 {strides = array<i32>} : memref<8x40x128xf32, #tpu.memory_space<vmem>>, vector<1x1x16xf32>,
      %swap3A_103 = arith.constant 5 : i32
      %swap3A_104 = arith.index_cast %swap3A_103 : i32 to index
      %swap3A_105 = arith.index_cast %scan3A_61 : i32 to index
      %swap3A_106 = arith.constant 96 : index
      %swap3A_107 = tpu.vector_load %arg6[%swap3A_104, %swap3A_105, %swap3A_106] {strides = array<i32>} : memref<8x40x128xf32, #tpu.memory_space<vmem>>, vector<1x1x16xf32>,
      %swap3A_108 = vector.shape_cast %swap3A_107 : vector<1x1x16xf32> to vector<16xf32>
      %swap3A_109 = vector.shape_cast %broadcast_in_dim3A_7 : vector<16xf32> to vector<1x1x16xf32>
      tpu.vector_store %arg6[%swap3A_104, %swap3A_105, %swap3A_106], %swap3A_109 {strides = array<i32>} : memref<8x40x128xf32, #tpu.memory_space<vmem>>, vector<1x1x16xf32>,
      %swap3A_110 = arith.constant 5 : i32
      %swap3A_111 = arith.index_cast %swap3A_110 : i32 to index
      %swap3A_112 = arith.index_cast %scan3A_61 : i32 to index
      %swap3A_113 = arith.constant 112 : index
      %swap3A_114 = tpu.vector_load %arg6[%swap3A_111, %swap3A_112, %swap3A_113] {strides = array<i32>} : memref<8x40x128xf32, #tpu.memory_space<vmem>>, vector<1x1x16xf32>,
      %swap3A_115 = vector.shape_cast %swap3A_114 : vector<1x1x16xf32> to vector<16xf32>
      %swap3A_116 = vector.shape_cast %broadcast_in_dim3A_7 : vector<16xf32> to vector<1x1x16xf32>
      tpu.vector_store %arg6[%swap3A_111, %swap3A_112, %swap3A_113], %swap3A_116 {strides = array<i32>} : memref<8x40x128xf32, #tpu.memory_space<vmem>>, vector<1x1x16xf32>,
    }
    %scan3A_42 = arith.constant 40 : i32
    %scan3A_43 = arith.constant 0 : i32
    %scan3A_44 = arith.constant 0 : i32
    %scan3A_45 = arith.constant 40 : i32
    %scan3A_46 = arith.addi %scan3A_44, %scan3A_45 : i32
    %scan3A_47 = arith.constant 1 : i32
    scf.for %scan3A_61 = %scan3A_44 to %scan3A_46 step %scan3A_47  : i32 {
      %swap3A = arith.constant 6 : i32
      %swap3A_62 = arith.index_cast %swap3A : i32 to index
      %swap3A_63 = arith.index_cast %scan3A_61 : i32 to index
      %swap3A_64 = arith.constant 0 : index
      %swap3A_65 = tpu.vector_load %arg6[%swap3A_62, %swap3A_63, %swap3A_64] {strides = array<i32>} : memref<8x40x128xf32, #tpu.memory_space<vmem>>, vector<1x1x16xf32>,
      %swap3A_66 = vector.shape_cast %swap3A_65 : vector<1x1x16xf32> to vector<16xf32>
      %swap3A_67 = vector.shape_cast %broadcast_in_dim3A_7 : vector<16xf32> to vector<1x1x16xf32>
      tpu.vector_store %arg6[%swap3A_62, %swap3A_63, %swap3A_64], %swap3A_67 {strides = array<i32>} : memref<8x40x128xf32, #tpu.memory_space<vmem>>, vector<1x1x16xf32>,
      %swap3A_68 = arith.constant 6 : i32
      %swap3A_69 = arith.index_cast %swap3A_68 : i32 to index
      %swap3A_70 = arith.index_cast %scan3A_61 : i32 to index
      %swap3A_71 = arith.constant 16 : index
      %swap3A_72 = tpu.vector_load %arg6[%swap3A_69, %swap3A_70, %swap3A_71] {strides = array<i32>} : memref<8x40x128xf32, #tpu.memory_space<vmem>>, vector<1x1x16xf32>,
      %swap3A_73 = vector.shape_cast %swap3A_72 : vector<1x1x16xf32> to vector<16xf32>
      %swap3A_74 = vector.shape_cast %broadcast_in_dim3A_7 : vector<16xf32> to vector<1x1x16xf32>
      tpu.vector_store %arg6[%swap3A_69, %swap3A_70, %swap3A_71], %swap3A_74 {strides = array<i32>} : memref<8x40x128xf32, #tpu.memory_space<vmem>>, vector<1x1x16xf32>,
      %swap3A_75 = arith.constant 6 : i32
      %swap3A_76 = arith.index_cast %swap3A_75 : i32 to index
      %swap3A_77 = arith.index_cast %scan3A_61 : i32 to index
      %swap3A_78 = arith.constant 32 : index
      %swap3A_79 = tpu.vector_load %arg6[%swap3A_76, %swap3A_77, %swap3A_78] {strides = array<i32>} : memref<8x40x128xf32, #tpu.memory_space<vmem>>, vector<1x1x16xf32>,
      %swap3A_80 = vector.shape_cast %swap3A_79 : vector<1x1x16xf32> to vector<16xf32>
      %swap3A_81 = vector.shape_cast %broadcast_in_dim3A_7 : vector<16xf32> to vector<1x1x16xf32>
      tpu.vector_store %arg6[%swap3A_76, %swap3A_77, %swap3A_78], %swap3A_81 {strides = array<i32>} : memref<8x40x128xf32, #tpu.memory_space<vmem>>, vector<1x1x16xf32>,
      %swap3A_82 = arith.constant 6 : i32
      %swap3A_83 = arith.index_cast %swap3A_82 : i32 to index
      %swap3A_84 = arith.index_cast %scan3A_61 : i32 to index
      %swap3A_85 = arith.constant 48 : index
      %swap3A_86 = tpu.vector_load %arg6[%swap3A_83, %swap3A_84, %swap3A_85] {strides = array<i32>} : memref<8x40x128xf32, #tpu.memory_space<vmem>>, vector<1x1x16xf32>,
      %swap3A_87 = vector.shape_cast %swap3A_86 : vector<1x1x16xf32> to vector<16xf32>
      %swap3A_88 = vector.shape_cast %broadcast_in_dim3A_7 : vector<16xf32> to vector<1x1x16xf32>
      tpu.vector_store %arg6[%swap3A_83, %swap3A_84, %swap3A_85], %swap3A_88 {strides = array<i32>} : memref<8x40x128xf32, #tpu.memory_space<vmem>>, vector<1x1x16xf32>,
      %swap3A_89 = arith.constant 6 : i32
      %swap3A_90 = arith.index_cast %swap3A_89 : i32 to index
      %swap3A_91 = arith.index_cast %scan3A_61 : i32 to index
      %swap3A_92 = arith.constant 64 : index
      %swap3A_93 = tpu.vector_load %arg6[%swap3A_90, %swap3A_91, %swap3A_92] {strides = array<i32>} : memref<8x40x128xf32, #tpu.memory_space<vmem>>, vector<1x1x16xf32>,
      %swap3A_94 = vector.shape_cast %swap3A_93 : vector<1x1x16xf32> to vector<16xf32>
      %swap3A_95 = vector.shape_cast %broadcast_in_dim3A_7 : vector<16xf32> to vector<1x1x16xf32>
      tpu.vector_store %arg6[%swap3A_90, %swap3A_91, %swap3A_92], %swap3A_95 {strides = array<i32>} : memref<8x40x128xf32, #tpu.memory_space<vmem>>, vector<1x1x16xf32>,
      %swap3A_96 = arith.constant 6 : i32
      %swap3A_97 = arith.index_cast %swap3A_96 : i32 to index
      %swap3A_98 = arith.index_cast %scan3A_61 : i32 to index
      %swap3A_99 = arith.constant 80 : index
      %swap3A_100 = tpu.vector_load %arg6[%swap3A_97, %swap3A_98, %swap3A_99] {strides = array<i32>} : memref<8x40x128xf32, #tpu.memory_space<vmem>>, vector<1x1x16xf32>,
      %swap3A_101 = vector.shape_cast %swap3A_100 : vector<1x1x16xf32> to vector<16xf32>
      %swap3A_102 = vector.shape_cast %broadcast_in_dim3A_7 : vector<16xf32> to vector<1x1x16xf32>
      tpu.vector_store %arg6[%swap3A_97, %swap3A_98, %swap3A_99], %swap3A_102 {strides = array<i32>} : memref<8x40x128xf32, #tpu.memory_space<vmem>>, vector<1x1x16xf32>,
      %swap3A_103 = arith.constant 6 : i32
      %swap3A_104 = arith.index_cast %swap3A_103 : i32 to index
      %swap3A_105 = arith.index_cast %scan3A_61 : i32 to index
      %swap3A_106 = arith.constant 96 : index
      %swap3A_107 = tpu.vector_load %arg6[%swap3A_104, %swap3A_105, %swap3A_106] {strides = array<i32>} : memref<8x40x128xf32, #tpu.memory_space<vmem>>, vector<1x1x16xf32>,
      %swap3A_108 = vector.shape_cast %swap3A_107 : vector<1x1x16xf32> to vector<16xf32>
      %swap3A_109 = vector.shape_cast %broadcast_in_dim3A_7 : vector<16xf32> to vector<1x1x16xf32>
      tpu.vector_store %arg6[%swap3A_104, %swap3A_105, %swap3A_106], %swap3A_109 {strides = array<i32>} : memref<8x40x128xf32, #tpu.memory_space<vmem>>, vector<1x1x16xf32>,
      %swap3A_110 = arith.constant 6 : i32
      %swap3A_111 = arith.index_cast %swap3A_110 : i32 to index
      %swap3A_112 = arith.index_cast %scan3A_61 : i32 to index
      %swap3A_113 = arith.constant 112 : index
      %swap3A_114 = tpu.vector_load %arg6[%swap3A_111, %swap3A_112, %swap3A_113] {strides = array<i32>} : memref<8x40x128xf32, #tpu.memory_space<vmem>>, vector<1x1x16xf32>,
      %swap3A_115 = vector.shape_cast %swap3A_114 : vector<1x1x16xf32> to vector<16xf32>
      %swap3A_116 = vector.shape_cast %broadcast_in_dim3A_7 : vector<16xf32> to vector<1x1x16xf32>
      tpu.vector_store %arg6[%swap3A_111, %swap3A_112, %swap3A_113], %swap3A_116 {strides = array<i32>} : memref<8x40x128xf32, #tpu.memory_space<vmem>>, vector<1x1x16xf32>,
    }
    %scan3A_48 = arith.constant 40 : i32
    %scan3A_49 = arith.constant 0 : i32
    %scan3A_50 = arith.constant 0 : i32
    %scan3A_51 = arith.constant 40 : i32
    %scan3A_52 = arith.addi %scan3A_50, %scan3A_51 : i32
    %scan3A_53 = arith.constant 1 : i32
    scf.for %scan3A_61 = %scan3A_50 to %scan3A_52 step %scan3A_53  : i32 {
      %swap3A = arith.constant 7 : i32
      %swap3A_62 = arith.index_cast %swap3A : i32 to index
      %swap3A_63 = arith.index_cast %scan3A_61 : i32 to index
      %swap3A_64 = arith.constant 0 : index
      %swap3A_65 = tpu.vector_load %arg6[%swap3A_62, %swap3A_63, %swap3A_64] {strides = array<i32>} : memref<8x40x128xf32, #tpu.memory_space<vmem>>, vector<1x1x16xf32>,
      %swap3A_66 = vector.shape_cast %swap3A_65 : vector<1x1x16xf32> to vector<16xf32>
      %swap3A_67 = vector.shape_cast %broadcast_in_dim3A_7 : vector<16xf32> to vector<1x1x16xf32>
      tpu.vector_store %arg6[%swap3A_62, %swap3A_63, %swap3A_64], %swap3A_67 {strides = array<i32>} : memref<8x40x128xf32, #tpu.memory_space<vmem>>, vector<1x1x16xf32>,
      %swap3A_68 = arith.constant 7 : i32
      %swap3A_69 = arith.index_cast %swap3A_68 : i32 to index
      %swap3A_70 = arith.index_cast %scan3A_61 : i32 to index
      %swap3A_71 = arith.constant 16 : index
      %swap3A_72 = tpu.vector_load %arg6[%swap3A_69, %swap3A_70, %swap3A_71] {strides = array<i32>} : memref<8x40x128xf32, #tpu.memory_space<vmem>>, vector<1x1x16xf32>,
      %swap3A_73 = vector.shape_cast %swap3A_72 : vector<1x1x16xf32> to vector<16xf32>
      %swap3A_74 = vector.shape_cast %broadcast_in_dim3A_7 : vector<16xf32> to vector<1x1x16xf32>
      tpu.vector_store %arg6[%swap3A_69, %swap3A_70, %swap3A_71], %swap3A_74 {strides = array<i32>} : memref<8x40x128xf32, #tpu.memory_space<vmem>>, vector<1x1x16xf32>,
      %swap3A_75 = arith.constant 7 : i32
      %swap3A_76 = arith.index_cast %swap3A_75 : i32 to index
      %swap3A_77 = arith.index_cast %scan3A_61 : i32 to index
      %swap3A_78 = arith.constant 32 : index
      %swap3A_79 = tpu.vector_load %arg6[%swap3A_76, %swap3A_77, %swap3A_78] {strides = array<i32>} : memref<8x40x128xf32, #tpu.memory_space<vmem>>, vector<1x1x16xf32>,
      %swap3A_80 = vector.shape_cast %swap3A_79 : vector<1x1x16xf32> to vector<16xf32>
      %swap3A_81 = vector.shape_cast %broadcast_in_dim3A_7 : vector<16xf32> to vector<1x1x16xf32>
      tpu.vector_store %arg6[%swap3A_76, %swap3A_77, %swap3A_78], %swap3A_81 {strides = array<i32>} : memref<8x40x128xf32, #tpu.memory_space<vmem>>, vector<1x1x16xf32>,
      %swap3A_82 = arith.constant 7 : i32
      %swap3A_83 = arith.index_cast %swap3A_82 : i32 to index
      %swap3A_84 = arith.index_cast %scan3A_61 : i32 to index
      %swap3A_85 = arith.constant 48 : index
      %swap3A_86 = tpu.vector_load %arg6[%swap3A_83, %swap3A_84, %swap3A_85] {strides = array<i32>} : memref<8x40x128xf32, #tpu.memory_space<vmem>>, vector<1x1x16xf32>,
      %swap3A_87 = vector.shape_cast %swap3A_86 : vector<1x1x16xf32> to vector<16xf32>
      %swap3A_88 = vector.shape_cast %broadcast_in_dim3A_7 : vector<16xf32> to vector<1x1x16xf32>
      tpu.vector_store %arg6[%swap3A_83, %swap3A_84, %swap3A_85], %swap3A_88 {strides = array<i32>} : memref<8x40x128xf32, #tpu.memory_space<vmem>>, vector<1x1x16xf32>,
      %swap3A_89 = arith.constant 7 : i32
      %swap3A_90 = arith.index_cast %swap3A_89 : i32 to index
      %swap3A_91 = arith.index_cast %scan3A_61 : i32 to index
      %swap3A_92 = arith.constant 64 : index
      %swap3A_93 = tpu.vector_load %arg6[%swap3A_90, %swap3A_91, %swap3A_92] {strides = array<i32>} : memref<8x40x128xf32, #tpu.memory_space<vmem>>, vector<1x1x16xf32>,
      %swap3A_94 = vector.shape_cast %swap3A_93 : vector<1x1x16xf32> to vector<16xf32>
      %swap3A_95 = vector.shape_cast %broadcast_in_dim3A_7 : vector<16xf32> to vector<1x1x16xf32>
      tpu.vector_store %arg6[%swap3A_90, %swap3A_91, %swap3A_92], %swap3A_95 {strides = array<i32>} : memref<8x40x128xf32, #tpu.memory_space<vmem>>, vector<1x1x16xf32>,
      %swap3A_96 = arith.constant 7 : i32
      %swap3A_97 = arith.index_cast %swap3A_96 : i32 to index
      %swap3A_98 = arith.index_cast %scan3A_61 : i32 to index
      %swap3A_99 = arith.constant 80 : index
      %swap3A_100 = tpu.vector_load %arg6[%swap3A_97, %swap3A_98, %swap3A_99] {strides = array<i32>} : memref<8x40x128xf32, #tpu.memory_space<vmem>>, vector<1x1x16xf32>,
      %swap3A_101 = vector.shape_cast %swap3A_100 : vector<1x1x16xf32> to vector<16xf32>
      %swap3A_102 = vector.shape_cast %broadcast_in_dim3A_7 : vector<16xf32> to vector<1x1x16xf32>
      tpu.vector_store %arg6[%swap3A_97, %swap3A_98, %swap3A_99], %swap3A_102 {strides = array<i32>} : memref<8x40x128xf32, #tpu.memory_space<vmem>>, vector<1x1x16xf32>,
      %swap3A_103 = arith.constant 7 : i32
      %swap3A_104 = arith.index_cast %swap3A_103 : i32 to index
      %swap3A_105 = arith.index_cast %scan3A_61 : i32 to index
      %swap3A_106 = arith.constant 96 : index
      %swap3A_107 = tpu.vector_load %arg6[%swap3A_104, %swap3A_105, %swap3A_106] {strides = array<i32>} : memref<8x40x128xf32, #tpu.memory_space<vmem>>, vector<1x1x16xf32>,
      %swap3A_108 = vector.shape_cast %swap3A_107 : vector<1x1x16xf32> to vector<16xf32>
      %swap3A_109 = vector.shape_cast %broadcast_in_dim3A_7 : vector<16xf32> to vector<1x1x16xf32>
      tpu.vector_store %arg6[%swap3A_104, %swap3A_105, %swap3A_106], %swap3A_109 {strides = array<i32>} : memref<8x40x128xf32, #tpu.memory_space<vmem>>, vector<1x1x16xf32>,
      %swap3A_110 = arith.constant 7 : i32
      %swap3A_111 = arith.index_cast %swap3A_110 : i32 to index
      %swap3A_112 = arith.index_cast %scan3A_61 : i32 to index
      %swap3A_113 = arith.constant 112 : index
      %swap3A_114 = tpu.vector_load %arg6[%swap3A_111, %swap3A_112, %swap3A_113] {strides = array<i32>} : memref<8x40x128xf32, #tpu.memory_space<vmem>>, vector<1x1x16xf32>,
      %swap3A_115 = vector.shape_cast %swap3A_114 : vector<1x1x16xf32> to vector<16xf32>
      %swap3A_116 = vector.shape_cast %broadcast_in_dim3A_7 : vector<16xf32> to vector<1x1x16xf32>
      tpu.vector_store %arg6[%swap3A_111, %swap3A_112, %swap3A_113], %swap3A_116 {strides = array<i32>} : memref<8x40x128xf32, #tpu.memory_space<vmem>>, vector<1x1x16xf32>,
    }
    %scan3A_54 = arith.constant 40 : i32
    %scan3A_55 = arith.constant 0 : i32
    %scan3A_56 = arith.constant 0 : i32
    %scan3A_57 = arith.constant 136 : i32
    %scan3A_58 = arith.addi %scan3A_56, %scan3A_57 : i32
    %scan3A_59 = arith.constant 1 : i32
    scf.for %scan3A_61 = %scan3A_56 to %scan3A_58 step %scan3A_59  : i32 {
      %jit3A = arith.constant 8 : i32
      %eq3A = arith.constant 0 : i32
      %eq3A_62 = arith.cmpi eq, %jit3A, %eq3A : i32
      %jit3A_63 = arith.constant 1 : i32
      %select_n3A = arith.select %eq3A_62, %jit3A_63, %jit3A : i32
      %rem3A = arith.remsi %scan3A_61, %select_n3A : i32
      %ne3A = arith.constant 0 : i32
      %ne3A_64 = arith.cmpi ne, %rem3A, %ne3A : i32
      %lt3A = arith.constant 0 : i32
      %lt3A_65 = arith.cmpi slt, %rem3A, %lt3A : i32
      %lt3A_66 = arith.constant 0 : i32
      %lt3A_67 = arith.cmpi slt, %select_n3A, %lt3A_66 : i32
      %ne3A_68 = arith.xori %lt3A_65, %lt3A_67 : i1
      %and3A = arith.andi %ne3A_68, %ne3A_64 : i1
      %add3A_69 = arith.addi %rem3A, %select_n3A : i32
      %select_n3A_70 = arith.select %and3A, %add3A_69, %rem3A : i32
      %ge3A = arith.constant 8 : i32
      %ge3A_71 = arith.cmpi sge, %scan3A_61, %ge3A : i32
      %convert_element_type3A = arith.extui %ge3A_71 : i1 to i32
      %cond3A = arith.constant 0 : i32
      %cond3A_72 = arith.cmpi ne, %convert_element_type3A, %cond3A : i32
      scf.if %cond3A_72 {
        %sub3A = arith.constant 8 : i32
        %sub3A_78 = arith.subi %scan3A_61, %sub3A : i32
        %scan3A_79 = arith.constant 0 : i32
        %scan3A_80 = arith.constant 0 : i32
        %scan3A_81 = arith.constant 5 : i32
        %scan3A_82 = arith.addi %scan3A_80, %scan3A_81 : i32
        %scan3A_83 = arith.constant 1 : i32
        scf.for %scan3A_130 = %scan3A_80 to %scan3A_82 step %scan3A_83  : i32 {
          %dma_wait3A = arith.constant 0 : i32
          %dma_wait3A_131 = arith.constant 0 : i32
          %dma_wait3A_132 = tpu.memref_slice %arg6[%select_n3A_70, %dma_wait3A, %dma_wait3A_131] : memref<8x40x128xf32, #tpu.memory_space<vmem>> -> memref<1x40x128xf32, #tpu.memory_space<vmem>>
          %dma_wait3A_133 = tpu.memref_squeeze %dma_wait3A_132 : memref<1x40x128xf32, #tpu.memory_space<vmem>> -> memref<40x128xf32, #tpu.memory_space<vmem>>
          %dma_wait3A_134 = arith.constant 0 : i32
          %dma_wait3A_135 = tpu.memref_slice %arg5[%dma_wait3A_134] : memref<25600xi32, #tpu.memory_space<vmem>> -> memref<40xi32, #tpu.memory_space<vmem>>
          %dma_wait3A_136 = arith.constant 0 : i32
          %dma_wait3A_137 = arith.constant 0 : i32
          %dma_wait3A_138 = tpu.memref_slice %arg3[%dma_wait3A_136, %dma_wait3A_137] : memref<100000x128xf32, #tpu.memory_space<hbm>> -> memref<100000x128xf32, #tpu.memory_space<hbm>>
          %dma_wait3A_139 = tpu.memref_slice %arg8[%select_n3A_70] : memref<8x!tpu.dma_semaphore, #tpu.memory_space<semaphore_mem>> -> memref<1x!tpu.dma_semaphore, #tpu.memory_space<semaphore_mem>>
          %dma_wait3A_140 = tpu.memref_squeeze %dma_wait3A_139 : memref<1x!tpu.dma_semaphore, #tpu.memory_space<semaphore_mem>> -> memref<!tpu.dma_semaphore, #tpu.memory_space<semaphore_mem>>
          tpu.wait_indirect_dma semaphore(%dma_wait3A_140 : memref<!tpu.dma_semaphore, #tpu.memory_space<semaphore_mem>>) src(%dma_wait3A_138 : memref<100000x128xf32, #tpu.memory_space<hbm>>) dst(%dma_wait3A_133 : memref<40x128xf32, #tpu.memory_space<vmem>>)
        }
        %scan3A_84 = arith.constant 5 : i32
        %scan3A_85 = arith.constant 0 : i32
        %scan3A_86 = arith.constant 40 : i32
        %scan3A_87 = arith.addi %scan3A_85, %scan3A_86 : i32
        %scan3A_88 = arith.constant 1 : i32
        %scan3A_89:8 = scf.for %scan3A_130 = %scan3A_85 to %scan3A_87 step %scan3A_88 iter_args(%scan3A_131 = %broadcast_in_dim3A_7, %scan3A_132 = %broadcast_in_dim3A_7, %scan3A_133 = %broadcast_in_dim3A_7, %scan3A_134 = %broadcast_in_dim3A_7, %scan3A_135 = %broadcast_in_dim3A_7, %scan3A_136 = %broadcast_in_dim3A_7, %scan3A_137 = %broadcast_in_dim3A_7, %scan3A_138 = %broadcast_in_dim3A_7) -> (vector<16xf32>, vector<16xf32>, vector<16xf32>, vector<16xf32>, vector<16xf32>, vector<16xf32>, vector<16xf32>, vector<16xf32>)  : i32 {
          %get3A = arith.index_cast %select_n3A_70 : i32 to index
          %get3A_139 = arith.index_cast %scan3A_130 : i32 to index
          %get3A_140 = arith.constant 0 : index
          %get3A_141 = tpu.vector_load %arg6[%get3A, %get3A_139, %get3A_140] {strides = array<i32>} : memref<8x40x128xf32, #tpu.memory_space<vmem>>, vector<1x1x16xf32>,
          %get3A_142 = vector.shape_cast %get3A_141 : vector<1x1x16xf32> to vector<16xf32>
          %add3A_143 = arith.addf %scan3A_131, %get3A_142 : vector<16xf32>
          %get3A_144 = arith.index_cast %select_n3A_70 : i32 to index
          %get3A_145 = arith.index_cast %scan3A_130 : i32 to index
          %get3A_146 = arith.constant 16 : index
          %get3A_147 = tpu.vector_load %arg6[%get3A_144, %get3A_145, %get3A_146] {strides = array<i32>} : memref<8x40x128xf32, #tpu.memory_space<vmem>>, vector<1x1x16xf32>,
          %get3A_148 = vector.shape_cast %get3A_147 : vector<1x1x16xf32> to vector<16xf32>
          %add3A_149 = arith.addf %scan3A_132, %get3A_148 : vector<16xf32>
          %get3A_150 = arith.index_cast %select_n3A_70 : i32 to index
          %get3A_151 = arith.index_cast %scan3A_130 : i32 to index
          %get3A_152 = arith.constant 32 : index
          %get3A_153 = tpu.vector_load %arg6[%get3A_150, %get3A_151, %get3A_152] {strides = array<i32>} : memref<8x40x128xf32, #tpu.memory_space<vmem>>, vector<1x1x16xf32>,
          %get3A_154 = vector.shape_cast %get3A_153 : vector<1x1x16xf32> to vector<16xf32>
          %add3A_155 = arith.addf %scan3A_133, %get3A_154 : vector<16xf32>
          %get3A_156 = arith.index_cast %select_n3A_70 : i32 to index
          %get3A_157 = arith.index_cast %scan3A_130 : i32 to index
          %get3A_158 = arith.constant 48 : index
          %get3A_159 = tpu.vector_load %arg6[%get3A_156, %get3A_157, %get3A_158] {strides = array<i32>} : memref<8x40x128xf32, #tpu.memory_space<vmem>>, vector<1x1x16xf32>,
          %get3A_160 = vector.shape_cast %get3A_159 : vector<1x1x16xf32> to vector<16xf32>
          %add3A_161 = arith.addf %scan3A_134, %get3A_160 : vector<16xf32>
          %get3A_162 = arith.index_cast %select_n3A_70 : i32 to index
          %get3A_163 = arith.index_cast %scan3A_130 : i32 to index
          %get3A_164 = arith.constant 64 : index
          %get3A_165 = tpu.vector_load %arg6[%get3A_162, %get3A_163, %get3A_164] {strides = array<i32>} : memref<8x40x128xf32, #tpu.memory_space<vmem>>, vector<1x1x16xf32>,
          %get3A_166 = vector.shape_cast %get3A_165 : vector<1x1x16xf32> to vector<16xf32>
          %add3A_167 = arith.addf %scan3A_135, %get3A_166 : vector<16xf32>
          %get3A_168 = arith.index_cast %select_n3A_70 : i32 to index
          %get3A_169 = arith.index_cast %scan3A_130 : i32 to index
          %get3A_170 = arith.constant 80 : index
          %get3A_171 = tpu.vector_load %arg6[%get3A_168, %get3A_169, %get3A_170] {strides = array<i32>} : memref<8x40x128xf32, #tpu.memory_space<vmem>>, vector<1x1x16xf32>,
          %get3A_172 = vector.shape_cast %get3A_171 : vector<1x1x16xf32> to vector<16xf32>
          %add3A_173 = arith.addf %scan3A_136, %get3A_172 : vector<16xf32>
          %get3A_174 = arith.index_cast %select_n3A_70 : i32 to index
          %get3A_175 = arith.index_cast %scan3A_130 : i32 to index
          %get3A_176 = arith.constant 96 : index
          %get3A_177 = tpu.vector_load %arg6[%get3A_174, %get3A_175, %get3A_176] {strides = array<i32>} : memref<8x40x128xf32, #tpu.memory_space<vmem>>, vector<1x1x16xf32>,
          %get3A_178 = vector.shape_cast %get3A_177 : vector<1x1x16xf32> to vector<16xf32>
          %add3A_179 = arith.addf %scan3A_137, %get3A_178 : vector<16xf32>
          %get3A_180 = arith.index_cast %select_n3A_70 : i32 to index
          %get3A_181 = arith.index_cast %scan3A_130 : i32 to index
          %get3A_182 = arith.constant 112 : index
          %get3A_183 = tpu.vector_load %arg6[%get3A_180, %get3A_181, %get3A_182] {strides = array<i32>} : memref<8x40x128xf32, #tpu.memory_space<vmem>>, vector<1x1x16xf32>,
          %get3A_184 = vector.shape_cast %get3A_183 : vector<1x1x16xf32> to vector<16xf32>
          %add3A_185 = arith.addf %scan3A_138, %get3A_184 : vector<16xf32>
          %swap3A_186 = arith.index_cast %select_n3A_70 : i32 to index
          %swap3A_187 = arith.index_cast %scan3A_130 : i32 to index
          %swap3A_188 = arith.constant 0 : index
          %swap3A_189 = tpu.vector_load %arg6[%swap3A_186, %swap3A_187, %swap3A_188] {strides = array<i32>} : memref<8x40x128xf32, #tpu.memory_space<vmem>>, vector<1x1x16xf32>,
          %swap3A_190 = vector.shape_cast %swap3A_189 : vector<1x1x16xf32> to vector<16xf32>
          %swap3A_191 = vector.shape_cast %broadcast_in_dim3A_7 : vector<16xf32> to vector<1x1x16xf32>
          tpu.vector_store %arg6[%swap3A_186, %swap3A_187, %swap3A_188], %swap3A_191 {strides = array<i32>} : memref<8x40x128xf32, #tpu.memory_space<vmem>>, vector<1x1x16xf32>,
          %swap3A_192 = arith.index_cast %select_n3A_70 : i32 to index
          %swap3A_193 = arith.index_cast %scan3A_130 : i32 to index
          %swap3A_194 = arith.constant 16 : index
          %swap3A_195 = tpu.vector_load %arg6[%swap3A_192, %swap3A_193, %swap3A_194] {strides = array<i32>} : memref<8x40x128xf32, #tpu.memory_space<vmem>>, vector<1x1x16xf32>,
          %swap3A_196 = vector.shape_cast %swap3A_195 : vector<1x1x16xf32> to vector<16xf32>
          %swap3A_197 = vector.shape_cast %broadcast_in_dim3A_7 : vector<16xf32> to vector<1x1x16xf32>
          tpu.vector_store %arg6[%swap3A_192, %swap3A_193, %swap3A_194], %swap3A_197 {strides = array<i32>} : memref<8x40x128xf32, #tpu.memory_space<vmem>>, vector<1x1x16xf32>,
          %swap3A_198 = arith.index_cast %select_n3A_70 : i32 to index
          %swap3A_199 = arith.index_cast %scan3A_130 : i32 to index
          %swap3A_200 = arith.constant 32 : index
          %swap3A_201 = tpu.vector_load %arg6[%swap3A_198, %swap3A_199, %swap3A_200] {strides = array<i32>} : memref<8x40x128xf32, #tpu.memory_space<vmem>>, vector<1x1x16xf32>,
          %swap3A_202 = vector.shape_cast %swap3A_201 : vector<1x1x16xf32> to vector<16xf32>
          %swap3A_203 = vector.shape_cast %broadcast_in_dim3A_7 : vector<16xf32> to vector<1x1x16xf32>
          tpu.vector_store %arg6[%swap3A_198, %swap3A_199, %swap3A_200], %swap3A_203 {strides = array<i32>} : memref<8x40x128xf32, #tpu.memory_space<vmem>>, vector<1x1x16xf32>,
          %swap3A_204 = arith.index_cast %select_n3A_70 : i32 to index
          %swap3A_205 = arith.index_cast %scan3A_130 : i32 to index
          %swap3A_206 = arith.constant 48 : index
          %swap3A_207 = tpu.vector_load %arg6[%swap3A_204, %swap3A_205, %swap3A_206] {strides = array<i32>} : memref<8x40x128xf32, #tpu.memory_space<vmem>>, vector<1x1x16xf32>,
          %swap3A_208 = vector.shape_cast %swap3A_207 : vector<1x1x16xf32> to vector<16xf32>
          %swap3A_209 = vector.shape_cast %broadcast_in_dim3A_7 : vector<16xf32> to vector<1x1x16xf32>
          tpu.vector_store %arg6[%swap3A_204, %swap3A_205, %swap3A_206], %swap3A_209 {strides = array<i32>} : memref<8x40x128xf32, #tpu.memory_space<vmem>>, vector<1x1x16xf32>,
          %swap3A_210 = arith.index_cast %select_n3A_70 : i32 to index
          %swap3A_211 = arith.index_cast %scan3A_130 : i32 to index
          %swap3A_212 = arith.constant 64 : index
          %swap3A_213 = tpu.vector_load %arg6[%swap3A_210, %swap3A_211, %swap3A_212] {strides = array<i32>} : memref<8x40x128xf32, #tpu.memory_space<vmem>>, vector<1x1x16xf32>,
          %swap3A_214 = vector.shape_cast %swap3A_213 : vector<1x1x16xf32> to vector<16xf32>
          %swap3A_215 = vector.shape_cast %broadcast_in_dim3A_7 : vector<16xf32> to vector<1x1x16xf32>
          tpu.vector_store %arg6[%swap3A_210, %swap3A_211, %swap3A_212], %swap3A_215 {strides = array<i32>} : memref<8x40x128xf32, #tpu.memory_space<vmem>>, vector<1x1x16xf32>,
          %swap3A_216 = arith.index_cast %select_n3A_70 : i32 to index
          %swap3A_217 = arith.index_cast %scan3A_130 : i32 to index
          %swap3A_218 = arith.constant 80 : index
          %swap3A_219 = tpu.vector_load %arg6[%swap3A_216, %swap3A_217, %swap3A_218] {strides = array<i32>} : memref<8x40x128xf32, #tpu.memory_space<vmem>>, vector<1x1x16xf32>,
          %swap3A_220 = vector.shape_cast %swap3A_219 : vector<1x1x16xf32> to vector<16xf32>
          %swap3A_221 = vector.shape_cast %broadcast_in_dim3A_7 : vector<16xf32> to vector<1x1x16xf32>
          tpu.vector_store %arg6[%swap3A_216, %swap3A_217, %swap3A_218], %swap3A_221 {strides = array<i32>} : memref<8x40x128xf32, #tpu.memory_space<vmem>>, vector<1x1x16xf32>,
          %swap3A_222 = arith.index_cast %select_n3A_70 : i32 to index
          %swap3A_223 = arith.index_cast %scan3A_130 : i32 to index
          %swap3A_224 = arith.constant 96 : index
          %swap3A_225 = tpu.vector_load %arg6[%swap3A_222, %swap3A_223, %swap3A_224] {strides = array<i32>} : memref<8x40x128xf32, #tpu.memory_space<vmem>>, vector<1x1x16xf32>,
          %swap3A_226 = vector.shape_cast %swap3A_225 : vector<1x1x16xf32> to vector<16xf32>
          %swap3A_227 = vector.shape_cast %broadcast_in_dim3A_7 : vector<16xf32> to vector<1x1x16xf32>
          tpu.vector_store %arg6[%swap3A_222, %swap3A_223, %swap3A_224], %swap3A_227 {strides = array<i32>} : memref<8x40x128xf32, #tpu.memory_space<vmem>>, vector<1x1x16xf32>,
          %swap3A_228 = arith.index_cast %select_n3A_70 : i32 to index
          %swap3A_229 = arith.index_cast %scan3A_130 : i32 to index
          %swap3A_230 = arith.constant 112 : index
          %swap3A_231 = tpu.vector_load %arg6[%swap3A_228, %swap3A_229, %swap3A_230] {strides = array<i32>} : memref<8x40x128xf32, #tpu.memory_space<vmem>>, vector<1x1x16xf32>,
          %swap3A_232 = vector.shape_cast %swap3A_231 : vector<1x1x16xf32> to vector<16xf32>
          %swap3A_233 = vector.shape_cast %broadcast_in_dim3A_7 : vector<16xf32> to vector<1x1x16xf32>
          tpu.vector_store %arg6[%swap3A_228, %swap3A_229, %swap3A_230], %swap3A_233 {strides = array<i32>} : memref<8x40x128xf32, #tpu.memory_space<vmem>>, vector<1x1x16xf32>,
          scf.yield %add3A_143, %add3A_149, %add3A_155, %add3A_161, %add3A_167, %add3A_173, %add3A_179, %add3A_185 : vector<16xf32>, vector<16xf32>, vector<16xf32>, vector<16xf32>, vector<16xf32>, vector<16xf32>, vector<16xf32>, vector<16xf32>
        }
        %scan3A_90 = arith.constant 40 : i32
        %swap3A = arith.index_cast %sub3A_78 : i32 to index
        %swap3A_91 = arith.constant 0 : index
        %swap3A_92 = tpu.vector_load %arg7[%swap3A, %swap3A_91] {strides = array<i32>} : memref<128x128xf32, #tpu.memory_space<vmem>>, vector<1x16xf32>,
        %swap3A_93 = vector.shape_cast %swap3A_92 : vector<1x16xf32> to vector<16xf32>
        %swap3A_94 = vector.shape_cast %scan3A_89#0 : vector<16xf32> to vector<1x16xf32>
        tpu.vector_store %arg7[%swap3A, %swap3A_91], %swap3A_94 {strides = array<i32>} : memref<128x128xf32, #tpu.memory_space<vmem>>, vector<1x16xf32>,
        %swap3A_95 = arith.index_cast %sub3A_78 : i32 to index
        %swap3A_96 = arith.constant 16 : index
        %swap3A_97 = tpu.vector_load %arg7[%swap3A_95, %swap3A_96] {strides = array<i32>} : memref<128x128xf32, #tpu.memory_space<vmem>>, vector<1x16xf32>,
        %swap3A_98 = vector.shape_cast %swap3A_97 : vector<1x16xf32> to vector<16xf32>
        %swap3A_99 = vector.shape_cast %scan3A_89#1 : vector<16xf32> to vector<1x16xf32>
        tpu.vector_store %arg7[%swap3A_95, %swap3A_96], %swap3A_99 {strides = array<i32>} : memref<128x128xf32, #tpu.memory_space<vmem>>, vector<1x16xf32>,
        %swap3A_100 = arith.index_cast %sub3A_78 : i32 to index
        %swap3A_101 = arith.constant 32 : index
        %swap3A_102 = tpu.vector_load %arg7[%swap3A_100, %swap3A_101] {strides = array<i32>} : memref<128x128xf32, #tpu.memory_space<vmem>>, vector<1x16xf32>,
        %swap3A_103 = vector.shape_cast %swap3A_102 : vector<1x16xf32> to vector<16xf32>
        %swap3A_104 = vector.shape_cast %scan3A_89#2 : vector<16xf32> to vector<1x16xf32>
        tpu.vector_store %arg7[%swap3A_100, %swap3A_101], %swap3A_104 {strides = array<i32>} : memref<128x128xf32, #tpu.memory_space<vmem>>, vector<1x16xf32>,
        %swap3A_105 = arith.index_cast %sub3A_78 : i32 to index
        %swap3A_106 = arith.constant 48 : index
        %swap3A_107 = tpu.vector_load %arg7[%swap3A_105, %swap3A_106] {strides = array<i32>} : memref<128x128xf32, #tpu.memory_space<vmem>>, vector<1x16xf32>,
        %swap3A_108 = vector.shape_cast %swap3A_107 : vector<1x16xf32> to vector<16xf32>
        %swap3A_109 = vector.shape_cast %scan3A_89#3 : vector<16xf32> to vector<1x16xf32>
        tpu.vector_store %arg7[%swap3A_105, %swap3A_106], %swap3A_109 {strides = array<i32>} : memref<128x128xf32, #tpu.memory_space<vmem>>, vector<1x16xf32>,
        %swap3A_110 = arith.index_cast %sub3A_78 : i32 to index
        %swap3A_111 = arith.constant 64 : index
        %swap3A_112 = tpu.vector_load %arg7[%swap3A_110, %swap3A_111] {strides = array<i32>} : memref<128x128xf32, #tpu.memory_space<vmem>>, vector<1x16xf32>,
        %swap3A_113 = vector.shape_cast %swap3A_112 : vector<1x16xf32> to vector<16xf32>
        %swap3A_114 = vector.shape_cast %scan3A_89#4 : vector<16xf32> to vector<1x16xf32>
        tpu.vector_store %arg7[%swap3A_110, %swap3A_111], %swap3A_114 {strides = array<i32>} : memref<128x128xf32, #tpu.memory_space<vmem>>, vector<1x16xf32>,
        %swap3A_115 = arith.index_cast %sub3A_78 : i32 to index
        %swap3A_116 = arith.constant 80 : index
        %swap3A_117 = tpu.vector_load %arg7[%swap3A_115, %swap3A_116] {strides = array<i32>} : memref<128x128xf32, #tpu.memory_space<vmem>>, vector<1x16xf32>,
        %swap3A_118 = vector.shape_cast %swap3A_117 : vector<1x16xf32> to vector<16xf32>
        %swap3A_119 = vector.shape_cast %scan3A_89#5 : vector<16xf32> to vector<1x16xf32>
        tpu.vector_store %arg7[%swap3A_115, %swap3A_116], %swap3A_119 {strides = array<i32>} : memref<128x128xf32, #tpu.memory_space<vmem>>, vector<1x16xf32>,
        %swap3A_120 = arith.index_cast %sub3A_78 : i32 to index
        %swap3A_121 = arith.constant 96 : index
        %swap3A_122 = tpu.vector_load %arg7[%swap3A_120, %swap3A_121] {strides = array<i32>} : memref<128x128xf32, #tpu.memory_space<vmem>>, vector<1x16xf32>,
        %swap3A_123 = vector.shape_cast %swap3A_122 : vector<1x16xf32> to vector<16xf32>
        %swap3A_124 = vector.shape_cast %scan3A_89#6 : vector<16xf32> to vector<1x16xf32>
        tpu.vector_store %arg7[%swap3A_120, %swap3A_121], %swap3A_124 {strides = array<i32>} : memref<128x128xf32, #tpu.memory_space<vmem>>, vector<1x16xf32>,
        %swap3A_125 = arith.index_cast %sub3A_78 : i32 to index
        %swap3A_126 = arith.constant 112 : index
        %swap3A_127 = tpu.vector_load %arg7[%swap3A_125, %swap3A_126] {strides = array<i32>} : memref<128x128xf32, #tpu.memory_space<vmem>>, vector<1x16xf32>,
        %swap3A_128 = vector.shape_cast %swap3A_127 : vector<1x16xf32> to vector<16xf32>
        %swap3A_129 = vector.shape_cast %scan3A_89#7 : vector<16xf32> to vector<1x16xf32>
        tpu.vector_store %arg7[%swap3A_125, %swap3A_126], %swap3A_129 {strides = array<i32>} : memref<128x128xf32, #tpu.memory_space<vmem>>, vector<1x16xf32>,
      } else {
      }
      %lt3A_73 = arith.constant 128 : i32
      %lt3A_74 = arith.cmpi slt, %scan3A_61, %lt3A_73 : i32
      %convert_element_type3A_75 = arith.extui %lt3A_74 : i1 to i32
      %cond3A_76 = arith.constant 0 : i32
      %cond3A_77 = arith.cmpi ne, %convert_element_type3A_75, %cond3A_76 : i32
      scf.if %cond3A_77 {
        %scan3A_78 = arith.constant 0 : i32
        %scan3A_79 = arith.constant 0 : i32
        %scan3A_80 = arith.constant 5 : i32
        %scan3A_81 = arith.addi %scan3A_79, %scan3A_80 : i32
        %scan3A_82 = arith.constant 1 : i32
        scf.for %scan3A_84 = %scan3A_79 to %scan3A_81 step %scan3A_82  : i32 {
          %mul3A_85 = arith.constant 5 : i32
          %mul3A_86 = arith.muli %scan3A_61, %mul3A_85 : i32
          %add3A_87 = arith.addi %mul3A_86, %scan3A_84 : i32
          %mul3A_88 = arith.constant 40 : i32
          %mul3A_89 = arith.muli %add3A_87, %mul3A_88 : i32
          %dma_start3A = arith.constant 0 : i32
          %dma_start3A_90 = arith.constant 0 : i32
          %dma_start3A_91 = tpu.memref_slice %arg6[%select_n3A_70, %dma_start3A, %dma_start3A_90] : memref<8x40x128xf32, #tpu.memory_space<vmem>> -> memref<1x40x128xf32, #tpu.memory_space<vmem>>
          %dma_start3A_92 = tpu.memref_squeeze %dma_start3A_91 : memref<1x40x128xf32, #tpu.memory_space<vmem>> -> memref<40x128xf32, #tpu.memory_space<vmem>>
          %dma_start3A_93 = tpu.memref_slice %arg5[%mul3A_89] : memref<25600xi32, #tpu.memory_space<vmem>> -> memref<40xi32, #tpu.memory_space<vmem>>
          %dma_start3A_94 = arith.constant 0 : i32
          %dma_start3A_95 = arith.constant 0 : i32
          %dma_start3A_96 = tpu.memref_slice %arg3[%dma_start3A_94, %dma_start3A_95] : memref<100000x128xf32, #tpu.memory_space<hbm>> -> memref<100000x128xf32, #tpu.memory_space<hbm>>
          %dma_start3A_97 = tpu.memref_slice %arg8[%select_n3A_70] : memref<8x!tpu.dma_semaphore, #tpu.memory_space<semaphore_mem>> -> memref<1x!tpu.dma_semaphore, #tpu.memory_space<semaphore_mem>>
          %dma_start3A_98 = tpu.memref_squeeze %dma_start3A_97 : memref<1x!tpu.dma_semaphore, #tpu.memory_space<semaphore_mem>> -> memref<!tpu.dma_semaphore, #tpu.memory_space<semaphore_mem>>
          tpu.enqueue_indirect_dma source(%dma_start3A_96 : memref<100000x128xf32, #tpu.memory_space<hbm>>) target(%dma_start3A_92 : memref<40x128xf32, #tpu.memory_space<vmem>>) offsets(%dma_start3A_93 : memref<40xi32, #tpu.memory_space<vmem>>) semaphore(%dma_start3A_98 : memref<!tpu.dma_semaphore, #tpu.memory_space<semaphore_mem>>) {add = true}
        }
        %scan3A_83 = arith.constant 5 : i32
      } else {
      }
    }
    %scan3A_60 = arith.constant 136 : i32
    "tpu.region"() ({
      %run_scoped3A = tpu.sem_alloc : memref<!tpu.dma_semaphore, #tpu.memory_space<semaphore_mem>>
      %dma_start3A = arith.constant 0 : i32
      %dma_start3A_61 = tpu.memref_slice %arg4[%mul3A_2, %dma_start3A] : memref<4096x128xf32, #tpu.memory_space<hbm>> -> memref<128x128xf32, #tpu.memory_space<hbm>>
      %dma_start3A_62 = arith.constant 0 : i32
      %dma_start3A_63 = tpu.memref_slice %arg4[%mul3A_2, %dma_start3A_62] : memref<4096x128xf32, #tpu.memory_space<hbm>> -> memref<128x128xf32, #tpu.memory_space<hbm>>
      tpu.enqueue_dma source(%arg7 : memref<128x128xf32, #tpu.memory_space<vmem>>) target(%dma_start3A_63 : memref<128x128xf32, #tpu.memory_space<hbm>>) target_semaphore(%run_scoped3A : memref<!tpu.dma_semaphore, #tpu.memory_space<semaphore_mem>>)
      %dma_wait3A = arith.constant 0 : i32
      %dma_wait3A_64 = tpu.memref_slice %arg4[%mul3A_2, %dma_wait3A] : memref<4096x128xf32, #tpu.memory_space<hbm>> -> memref<128x128xf32, #tpu.memory_space<hbm>>
      %dma_wait3A_65 = arith.constant 0 : i32
      %dma_wait3A_66 = tpu.memref_slice %arg4[%mul3A_2, %dma_wait3A_65] : memref<4096x128xf32, #tpu.memory_space<hbm>> -> memref<128x128xf32, #tpu.memory_space<hbm>>
      tpu.wait_dma2 semaphore(%run_scoped3A : memref<!tpu.dma_semaphore, #tpu.memory_space<semaphore_mem>>) src(%arg7 : memref<128x128xf32, #tpu.memory_space<vmem>>) dst(%dma_wait3A_66 : memref<128x128xf32, #tpu.memory_space<hbm>>)
      tpu.yield
    }) : () -> ()
    return
  }
}

module attributes {stable_mosaic.version = 14 : i64} {
  func.func @_mlp_body(%arg0: memref<4096x128xf32, #tpu.memory_space<vmem>>, %arg1: memref<4096x1xf32, #tpu.memory_space<vmem>>, %arg2: memref<128x128xf32, #tpu.memory_space<vmem>>, %arg3: memref<1x128xf32, #tpu.memory_space<vmem>>, %arg4: memref<128x5xf32, #tpu.memory_space<vmem>>, %arg5: memref<1x5xf32, #tpu.memory_space<vmem>>, %arg6: memref<4096x5xf32, #tpu.memory_space<vmem>>) attributes {dimension_semantics = [], scalar_prefetch = 0 : i64, scratch_operands = 0 : i64, tpu.core_type = #tpu.core_type<tc>} {
    %get3A = arith.constant 0 : index
    %get3A_0 = arith.constant 0 : index
    %get3A_1 = vector.load %arg0[%get3A, %get3A_0] : memref<4096x128xf32, #tpu.memory_space<vmem>>, vector<4096x128xf32>
    %get3A_2 = arith.constant 0 : index
    %get3A_3 = arith.constant 0 : index
    %get3A_4 = vector.load %arg1[%get3A_2, %get3A_3] : memref<4096x1xf32, #tpu.memory_space<vmem>>, vector<4096x1xf32>
    %div3A = vector.broadcast %get3A_4 : vector<4096x1xf32> to vector<4096x128xf32>
    %div3A_5 = arith.divf %get3A_1, %div3A : vector<4096x128xf32>
    %get3A_6 = arith.constant 0 : index
    %get3A_7 = arith.constant 0 : index
    %get3A_8 = vector.load %arg2[%get3A_6, %get3A_7] : memref<128x128xf32, #tpu.memory_space<vmem>>, vector<128x128xf32>
    %dot_general3A = arith.constant dense<0.000000e+00> : vector<4096x128xf32>
    %dot_general3A_9 = tpu.matmul %div3A_5, %get3A_8, %dot_general3A {dimension_numbers = #tpu.dot_dimension_numbers<[1], [0], [0], [1], [0, 0, 1, 1], [], []>, transpose_lhs_hint = false} : vector<4096x128xf32>, vector<128x128xf32>, vector<4096x128xf32> -> vector<4096x128xf32>
    %get3A_10 = arith.constant 0 : index
    %get3A_11 = arith.constant 0 : index
    %get3A_12 = vector.load %arg3[%get3A_10, %get3A_11] : memref<1x128xf32, #tpu.memory_space<vmem>>, vector<1x128xf32>
    %add3A = vector.broadcast %get3A_12 : vector<1x128xf32> to vector<4096x128xf32>
    %add3A_13 = arith.addf %dot_general3A_9, %add3A : vector<4096x128xf32>
    %max3A = arith.constant 0.000000e+00 : f32
    %max3A_14 = vector.broadcast %max3A : f32 to vector<4096x128xf32>
    %max3A_15 = arith.maximumf %add3A_13, %max3A_14 : vector<4096x128xf32>
    %get3A_16 = arith.constant 0 : index
    %get3A_17 = arith.constant 0 : index
    %get3A_18 = vector.load %arg4[%get3A_16, %get3A_17] : memref<128x5xf32, #tpu.memory_space<vmem>>, vector<128x5xf32>
    %dot_general3A_19 = arith.constant dense<0.000000e+00> : vector<4096x5xf32>
    %dot_general3A_20 = tpu.matmul %max3A_15, %get3A_18, %dot_general3A_19 {dimension_numbers = #tpu.dot_dimension_numbers<[1], [0], [0], [1], [0, 0, 1, 1], [], []>, transpose_lhs_hint = false} : vector<4096x128xf32>, vector<128x5xf32>, vector<4096x5xf32> -> vector<4096x5xf32>
    %get3A_21 = arith.constant 0 : index
    %get3A_22 = arith.constant 0 : index
    %get3A_23 = vector.load %arg5[%get3A_21, %get3A_22] : memref<1x5xf32, #tpu.memory_space<vmem>>, vector<1x5xf32>
    %add3A_24 = vector.broadcast %get3A_23 : vector<1x5xf32> to vector<4096x5xf32>
    %add3A_25 = arith.addf %dot_general3A_20, %add3A_24 : vector<4096x5xf32>
    %swap3A = arith.constant 0 : index
    %swap3A_26 = arith.constant 0 : index
    %swap3A_27 = vector.load %arg6[%swap3A, %swap3A_26] : memref<4096x5xf32, #tpu.memory_space<vmem>>, vector<4096x5xf32>
    tpu.vector_store %arg6[%swap3A, %swap3A_26], %add3A_25 {strides = array<i32>} : memref<4096x5xf32, #tpu.memory_space<vmem>>, vector<4096x5xf32>,
    return
  }
}

</mosaic_0001>

<sc_bundles>
// kernel: kernel.4.cloned.1.call-start
scs
__scs_entry_jumppad:
0x0: {  	(pc) =	sbr.rel $0x88, $3  }
0x1: {  	(tag) =	ssettag $0x0;
	lr =	simm.s32 $0x1  }
0x2: {  	[smem:$0x3F9A] =	sst lr;
	_ =	strace $0xD0000000  }
0x3: {  	_ = 	snop  }
0x4: {  	_ = 	snop  }
0x5: {  	_ = 	snop  }
0x6: {  	_ = 	snop  }
0x7: {  	_ = 	snop  }
__scs_overlays_trampoline_lowered:
0x8: {  	[smem:$0x3FA9] =	sst s0  }
0x9: {  	[smem:$0x3FAA] =	sst s1  }
0xa: {  	[smem:$0x3FAB] =	sst s2  }
0xb: {  	[smem:$0x3FAC] =	sst s3  }
0xc: {  	[smem:$0x3FAD] =	sst s4  }
0xd: {  	[smem:$0x3FAE] =	sst s5  }
0xe: {  	[smem:$0x3FAF] =	sst s6  }
0xf: {  	[smem:$0x3FB0] =	sst s7  }
0x10: {  	[smem:$0x3FB1] =	sst s8  }
0x11: {  	[smem:$0x3FB2] =	sst s9;
	s0 =	simm.s32 @!p0 $0x0  }
0x12: {  	s1 =	sld [smem:$0x3F98];
	s0 =	simm.s32 @p0 $0x1  }
0x13: {  	[smem:$0x3FB3] =	sst s0;
	s0 =	simm.s32 @!p1 $0x0  }
0x14: {  	s2 =	sld [smem:$0x3F97];
	s0 =	simm.s32 @p1 $0x1  }
0x15: {  	[smem:$0x3FB4] =	sst s0;
	s0 =	simm.s32 @!p2 $0x0  }
0x16: {  	s3 =	sld [smem:$0x3FDB];
	s0 =	simm.s32 @p2 $0x1  }
0x17: {  	s4 =	simm.s32 $0x1BF5;
	[smem:$0x3FB6] =	sst s0  }
0x18: {  	s0 =	sld [smem:$0x3F99];
	_ =	swait.ge [sflag:s4], $0x0  }
0x19: {  	s7 =	sld [smem:$0x3F9A]  }
0x1a: {  	s8 =	sadd.s32 $0xFFFFE003, lr  }
0x1b: {  	s9 =	sadd.s32 $0xFFFFFEF7, lr;
	s5 =	simm.s32 $0xFFFFFFFF;
	p2 =	slt.u32 s8, $0xFFFFF086  }
0x1c: {  	p1 =	slt.u32 s9, $0xF7A;
	s5 =	simm.s32 @!p2 $0x0  }
0x1d: {  	s5 =	simm.s32 @p1 $0x1;
	p0 =	seq.s32 s7, s2  }
0x1e: {  	s7 =	smul.u32 @!p0 $0xF7A, s2;
	p2 =	seq.s32 @!p0 s5, $0x0  }
0x1f: {  	s9 =	smul.u32 $0xF7A, s1;
	s8 =	simm.s32 @!p0 $0x1BF5;
	p2 =	por !p2, p0  }
0x20: {  	[sflag:s8] =	ssyncset.s32 @!p0 $0xFFFFF086;
	s6 =	sadd.s32 @!p0 s3, s7;
	s7 =	simm.s32 @!p0 $0x108  }
0x21: {  	s3 =	sadd.s32 s3, s9;
	s6 =	sadd.s32 @!p0 $0x88, s6;
	s7 =	simm.s32 @p2 $0x1082  }
0x22: {  	[simem:s7], [sflag:s8] =	dma.local @!p0 [hbm:s6], $0xF7A  }
0x23: {  	s9 =	sor.u32 $0xD0000000, s2;
	s6 =	simm.s32 $0x108;
	_ =	swait.ge @!p0 [sflag:s8], $0x0  }
0x24: {  	s3 =	sadd.s32 $0x88, s3;
	s6 =	simm.s32 @!p1 $0x1082;
	[sflag:s4] =	ssyncset.s32 $0xFFFFF086  }
0x25: {  	[simem:s6], [sflag:s4] =	dma.local [hbm:s3], $0xF7A  }
0x26: {  	[smem:$0x3F9A] =	sst s1;
	(tag) =	ssettag s2;
	_ =	strace s9  }
0x27: {  	s1 =	sld [smem:$0x3FAA]  }
0x28: {  	s2 =	sld [smem:$0x3FAB]  }
0x29: {  	s4 =	sld [smem:$0x3FAD]  }
0x2a: {  	p0 =	seq.s32 s5, $0x0;
	s5 =	sld [smem:$0x3FAE]  }
0x2b: {  	s6 =	sld [smem:$0x3FAF]  }
0x2c: {  	s7 =	sld [smem:$0x3FB0]  }
0x2d: {  	s3 =	simm.s32 $0x108;
	s8 =	sld [smem:$0x3FB1]  }
0x2e: {  	s3 =	simm.s32 @!p0 $0x1082;
	s9 =	sld [smem:$0x3FB2]  }
0x2f: {  	lr =	sadd.s32 s0, s3;
	s0 =	sld [smem:$0x3FA9]  }
0x30: {  	s3 =	sld [smem:$0x3FAC]  }
0x31: {  	[smem:$0x3FB5] =	sst s10  }
0x32: {  	s10 =	sld [smem:$0x3FB3];
	_ =	sdelay $0x3  }
0x33: {  	p0 =	seq.s32 s10, $0x1;
	s10 =	sld [smem:$0x3FB5];
	_ =	sdelay $0x3  }
0x34: {  	[smem:$0x3FB5] =	sst s10  }
0x35: {  	s10 =	sld [smem:$0x3FB4];
	_ =	sdelay $0x3  }
0x36: {  	p1 =	seq.s32 s10, $0x1;
	s10 =	sld [smem:$0x3FB5];
	_ =	sdelay $0x3  }
0x37: {  	[smem:$0x3FB5] =	sst s10  }
0x38: {  	s10 =	sld [smem:$0x3FB6]  }
0x39: {  	_ = 	snop;
	(pc) =	sbr.ind lr, $3  }
0x3a: {  	_ = 	snop  }
0x3b: {  	_ = 	snop  }
0x3c: {  	p2 =	seq.s32 s10, $0x1;
	s10 =	sld [smem:$0x3FB5]  }
0x3d: {  	_ =	shalt  }
0x3e: {  	_ =	shalt  }
0x3f: {  	_ =	shalt  }
0x40: {  	_ =	shalt  }
0x41: {  	_ =	shalt  }
0x42: {  	_ =	shalt  }
0x43: {  	_ =	shalt  }
0x44: {  	_ =	shalt  }
0x45: {  	_ =	shalt  }
0x46: {  	_ =	shalt  }
0x47: {  	_ =	shalt  }
0x48: {  	_ =	shalt  }
0x49: {  	_ =	shalt  }
0x4a: {  	_ =	shalt  }
0x4b: {  	_ =	shalt  }
0x4c: {  	_ =	shalt  }
0x4d: {  	_ =	shalt  }
0x4e: {  	_ =	shalt  }
0x4f: {  	_ =	shalt  }
0x50: {  	_ =	shalt  }
0x51: {  	_ =	shalt  }
0x52: {  	_ =	shalt  }
0x53: {  	_ =	shalt  }
0x54: {  	_ =	shalt  }
0x55: {  	_ =	shalt  }
0x56: {  	_ =	shalt  }
0x57: {  	_ =	shalt  }
0x58: {  	_ =	shalt  }
0x59: {  	_ =	shalt  }
0x5a: {  	_ =	shalt  }
0x5b: {  	_ =	shalt  }
0x5c: {  	_ =	shalt  }
0x5d: {  	_ =	shalt  }
0x5e: {  	_ =	shalt  }
0x5f: {  	_ =	shalt  }
0x60: {  	_ =	shalt  }
0x61: {  	_ =	shalt  }
0x62: {  	_ =	shalt  }
0x63: {  	_ =	shalt  }
0x64: {  	_ =	shalt  }
0x65: {  	_ =	shalt  }
0x66: {  	_ =	shalt  }
0x67: {  	_ =	shalt  }
0x68: {  	_ =	shalt  }
0x69: {  	_ =	shalt  }
0x6a: {  	_ =	shalt  }
0x6b: {  	_ =	shalt  }
0x6c: {  	_ =	shalt  }
0x6d: {  	_ =	shalt  }
0x6e: {  	_ =	shalt  }
0x6f: {  	_ =	shalt  }
0x70: {  	_ =	shalt  }
0x71: {  	_ =	shalt  }
0x72: {  	_ =	shalt  }
0x73: {  	_ =	shalt  }
0x74: {  	_ =	shalt  }
0x75: {  	_ =	shalt  }
0x76: {  	_ =	shalt  }
0x77: {  	_ =	shalt  }
0x78: {  	_ =	shalt  }
0x79: {  	_ =	shalt  }
0x7a: {  	_ =	shalt  }
0x7b: {  	_ =	shalt  }
0x7c: {  	_ =	shalt  }
0x7d: {  	_ =	shalt  }
0x7e: {  	_ =	shalt  }
0x7f: {  	_ =	shalt  }
0x80: {  	_ =	shalt  }
0x81: {  	_ =	shalt  }
0x82: {  	_ =	shalt  }
0x83: {  	_ =	shalt  }
0x84: {  	_ =	shalt  }
0x85: {  	_ =	shalt  }
0x86: {  	_ =	shalt  }
0x87: {  	_ =	shalt  }
.Lfunc_end0:
.L_simem_size_0:
called_computation_lowered:
.L_overlay_start_0:
0x88: {  	s2 =	sld [smem:$0x3FD9]  }
0x89: {  	s3 =	sld [smem:$0x3FFE];
	_ =	sdelay $0x1  }
0x8a: {  	s1 =	srdreg.scid  }
0x8b: {  	s0 =	sand.u32 $0x1, s1  }
0x8c: {  	s17 =	sshll.u32 s0, $0xA;
	s2 =	sadd.s32 s3, s2  }
0x8d: {  	s2 =	sadd.s32 s2, s17  }
0x8e: {  	[smem:$0x3FC1] =	sst s2  }
0x8f: {  	_ = 	snop  }
0x90: {  	s2 =	sld [smem:$0x3FC7];
	(tm) =	ssettm $0x1  }
0x91: {  	s18 =	sld [smem:$0x3FFB];
	_ =	sdelay $0x3  }
0x92: {  	_ =	strace s18  }
0x93: {  	s3 =	sld [smem:$0x3FFC];
	_ =	sdelay $0x3  }
0x94: {  	_ =	strace s3  }
0x95: {  	s3 =	sld [smem:$0x3FFD];
	_ =	sdelay $0x3  }
0x96: {  	_ =	strace s3  }
0x97: {  	_ =	strace $0x8FFFFFFF  }
0x98: {  	s19 =	sld [smem:$0x3FDB];
	_ =	sdelay $0x1  }
0x99: {  	s4 =	simm.s32 $_scs_section_size  }
0x9a: {  	s5 =	simm.s32 $_size__tile_overlayer_lowered;
	s6 =	simm.s32 $_tile_overlayer_lowered  }
0x9b: {  	s22 =	simm.s32 $0x1BFF;
	s21 =	sshll.u32 s6, $0x1;
	s3 =	sadd.s32 s4, s19  }
0x9c: {  	s7 =	simm.s32 $0x0;
	s20 =	sshll.u32 s5, $0x1;
	s5 =	sadd.s32 s21, s3  }
0x9d: {  	[timem:s7], [sflag:s22] =	dma.local [hbm:s5], s20  }
0x9e: {  	_ =	swait.ge [sflag:s22], s20  }
0x9f: {  	s4 =	ssub.s32 $0x0, s20;
	[sflag:s22] =	ssyncset.done $0x0  }
0xa0: {  	[sflag:s22] =	ssyncadd.s32 s4;
	_ =	sdelay $0x1  }
0xa1: {  	s23 =	simm.s32 $0x1B8B  }
0xa2: {  	_ =	swait.ge [sflag:s23], $0x1  }
0xa3: {  	[sflag:s23] =	ssyncset.done $0x0  }
0xa4: {  	s25 =	simm.s32 $0x1B8E;
	s24 =	sld [smem:$0x3FFE];
	[sflag:s23] =	ssyncadd.s32 $0xFFFFFFFF  }
0xa5: {  	s26 =	simm.s32 $execute0_lowered;
	[smem:$0x3FD2] =	sst s25  }
0xa6: {  	s5 =	sshll.u32 s26, $0x1;
	_ =	strace $0x80000046;
	[dreg:$0x1] =	wrdreg $0xFFFFFFFF  }
0xa7: {  	s28 =	simm.s32 $_size_execute0_lowered;
	s3 =	sadd.s32 s3, s5;
	[dreg:$0x0] =	wrdreg $0x0  }
0xa8: {  	s5 =	sshll.u32 s28, $0x1;
	[dreg:$0x2] =	wrdreg s3  }
0xa9: {  	[dreg:$0x3] =	wrdreg s5  }
0xaa: {  	[dreg:$0x4] =	wrdreg $0xC0  }
0xab: {  	_ =	task [dreg:s7], $0x5FFFF  }
0xac: {  	[dreg:$0x1] =	wrdreg $0xFFFFFFFF  }
0xad: {  	[dreg:$0x0] =	wrdreg $0x60  }
0xae: {  	[dreg:$0x2] =	wrdreg s24  }
0xaf: {  	[dreg:$0x3] =	wrdreg s2  }
0xb0: {  	[dreg:$0x4] =	wrdreg $0x9  }
0xb1: {  	_ =	task.clear_ibuf [dreg:s7], $0x5FFFF;
	_ =	strace $0x90000046  }
0xb2: {  	s29 =	simm.s32 $0x9;
	_ =	strace $0x80000048  }
0xb3: {  	_ =	swait.ge [sflag:s29], $0x1  }
0xb4: {  	[sflag:s29] =	ssyncadd.s32 $0xFFFFFFFF  }
0xb5: {  	_ =	strace $0x90000048  }
0xb6: {  	_ =	sfence  }
0xb7: {  	s30 =	sld [smem:$0x0];
	_ =	sdelay $0x2  }
0xb8: {  	s31 =	sshll.u32 s1, $0xD;
	s1 =	sshrl.u32 s1, $0x2  }
0xb9: {  	s3 =	sand.u32 $0x4000, s31;
	s1 =	sadd.s32 s1, s30  }
0xba: {  	s0 =	sor.u32 s3, s0;
	s1 =	sshll.u32 s1, $0x11  }
0xbb: {  	s0 =	sor.u32 s1, s0  }
0xbc: {  	s0 =	sadd.s32 $0x8F2B, s0  }
0xbd: {  	[sflag:s0] =	ssyncadd.remote.s32 $0x1  }
0xbe: {  	_ =	sfence.sel $0xFFFF  }
0xbf: {  	[dreg:$0x0] =	wrdreg $0xFFFFFFFF;
	(pc) =	sbr.abs _section_cstart, $3  }
0xc0: {  	[dreg:$0x1] =	wrdreg $0xFFFFFFFF  }
0xc1: {  	_ =	task.clear_ibuf [dreg:s7], $0x2FFFF;
	_ =	strace $0x9FFFFFFF  }
0xc2: {  	(tm) =	ssettm $0x7FFFFFFF  }
0xc3: {  	_ =	shalt  }
tec
execute0_lowered:
.L_overlay_start_1:
0x0: {  	(tag) =	ssettag $0x1  }
0x1: {  	s4 =	rddreg [dreg:$0x0];
	s1 =	srdreg.scid  }
0x2: {  	s0 =	stileid.u32;
	s2 =	rddreg [dreg:$0x1];
	s3 =	simm.s32 $0x0  }
0x3: {  	s9 =	simm.s32 $0x10400;
	s5 =	sand.u32 $0x1, s1;
	s1 =	rddreg [dreg:$0x2]  }
0x4: {  	s10 =	simm.s32 $0x0;
	s6 =	sshll.u32 s0, $0x1;
	[smem:$0x7FF] =	sst s3  }
.Ltmp0:
0x5: {  	s6 =	sor.u32 s5, s6;
	s5 =	ssub.s32 $0x2, s5;
	(pc) =	sbr.rel .LBB2_1-.Ltmp0, $4  }
0x6: {  	s7 =	smul.u32 $0xC80, s6;
	s6 =	sshll.u32 s6, $0xB;
	s8 =	sshrl.u32 s5, $0x1  }
0x7: {  	_ =	strace $0x80000047;
	s6 =	sadd.s32 s6, s4;
	s8 =	ssub.s32 s5, s8  }
0x8: {  	s7 =	sadd.s32 s7, s4;
	s5 =	sadd.s32 $0x1A000, s6;
	s6 =	smax.u32 s8, $0x1  }
0x9: {  	v0 =	vimm.f32 $0.0e+00;
	s8 =	simm.s32 $0x28;
	s4 =	sadd.s32 $0x1000, s7;
	s7 =	simm.s32 $0x9  }
.LBB2_24:
0xa: {  	s10 =	sadd.s32 $0x1, s10  }
0xb: {  	p0 =	sne.s32 s10, s6  }
.Ltmp1:
0xc: {  	_ = 	snop;
	(pc) =	sbr.rel @!p0 .LBB2_25-.Ltmp1, $4  }
0xd: {  	[hbm4b:s5+s3] =	stream.linear.scatter [tilespmem:s9], [sflag:$0x9], $0x4000, $0x38;
	[tilespmem:$0x14400] =	vst v63  }
0xe: {  	_ =	swait.ge [sflag:s7], $0x4000  }
0xf: {  	[sflag:s7] =	ssyncset.done $0x0  }
0x10: {  	[sflag:s7] =	ssyncadd.s32 $0xFFFFC000  }
.LBB2_1:
0x11: {  	[tilespmem:s3], [sflag:$0x9] =	stream.linear.gather [hbm4b:s4+s3], $0x6400, $0x38;
	[tilespmem:$0x14400] =	vst v63  }
0x12: {  	_ =	swait.ge [sflag:s7], $0x6400  }
0x13: {  	[sflag:s7] =	ssyncset.done $0x0  }
0x14: {  	s11 =	simm.s32 $0x0;
	s12 =	simm.s32 $0x200;
	[sflag:s7] =	ssyncadd.s32 $0xFFFF9C00  }
.LBB2_2:
0x15: {  	p0 =	sne.s32 s12, $0x4E00;
	[tilespmem:s11+$0x6470] =	vst v0  }
0x16: {  	[tilespmem:s11+$0x6400] =	vst v0  }
0x17: {  	[tilespmem:s11+$0x6410] =	vst v0  }
.Ltmp2:
0x18: {  	[tilespmem:s11+$0x6420] =	vst v0;
	(pc) =	sbr.rel @p0 .LBB2_2-.Ltmp2, $4  }
0x19: {  	[tilespmem:s11+$0x6430] =	vst v0  }
0x1a: {  	[tilespmem:s11+$0x6440] =	vst v0  }
0x1b: {  	[tilespmem:s11+$0x6450] =	vst v0  }
0x1c: {  	[tilespmem:s11+$0x6460] =	vst v0;
	s11 =	sshra.s32 s12, $0x2;
	s12 =	sadd.s32 $0x200, s12  }
0x1d: {  	[tilespmem:s11+$0x6470] =	vst v0  }
0x1e: {  	[tilespmem:s11+$0x6400] =	vst v0  }
0x1f: {  	[tilespmem:s11+$0x6410] =	vst v0  }
0x20: {  	[tilespmem:s11+$0x6420] =	vst v0  }
0x21: {  	[tilespmem:s11+$0x6430] =	vst v0  }
0x22: {  	[tilespmem:s11+$0x6440] =	vst v0  }
0x23: {  	[tilespmem:s11+$0x6450] =	vst v0  }
0x24: {  	[tilespmem:s11+$0x6460] =	vst v0;
	s11 =	simm.s32 $0x0;
	s12 =	simm.s32 $0x200  }
.LBB2_4:
0x25: {  	p0 =	sne.s32 s12, $0x4E00;
	[tilespmem:s11+$0x7870] =	vst v0  }
0x26: {  	[tilespmem:s11+$0x7800] =	vst v0  }
0x27: {  	[tilespmem:s11+$0x7810] =	vst v0  }
.Ltmp3:
0x28: {  	[tilespmem:s11+$0x7820] =	vst v0;
	(pc) =	sbr.rel @p0 .LBB2_4-.Ltmp3, $4  }
0x29: {  	[tilespmem:s11+$0x7830] =	vst v0  }
0x2a: {  	[tilespmem:s11+$0x7840] =	vst v0  }
0x2b: {  	[tilespmem:s11+$0x7850] =	vst v0  }
0x2c: {  	[tilespmem:s11+$0x7860] =	vst v0;
	s11 =	sshra.s32 s12, $0x2;
	s12 =	sadd.s32 $0x200, s12  }
0x2d: {  	[tilespmem:s11+$0x7870] =	vst v0  }
0x2e: {  	[tilespmem:s11+$0x7800] =	vst v0  }
0x2f: {  	[tilespmem:s11+$0x7810] =	vst v0  }
0x30: {  	[tilespmem:s11+$0x7820] =	vst v0  }
0x31: {  	[tilespmem:s11+$0x7830] =	vst v0  }
0x32: {  	[tilespmem:s11+$0x7840] =	vst v0  }
0x33: {  	[tilespmem:s11+$0x7850] =	vst v0  }
0x34: {  	[tilespmem:s11+$0x7860] =	vst v0;
	s11 =	simm.s32 $0x0;
	s12 =	simm.s32 $0x200  }
.LBB2_6:
0x35: {  	p0 =	sne.s32 s12, $0x4E00;
	[tilespmem:s11+$0x8C70] =	vst v0  }
0x36: {  	[tilespmem:s11+$0x8C00] =	vst v0  }
0x37: {  	[tilespmem:s11+$0x8C10] =	vst v0  }
.Ltmp4:
0x38: {  	[tilespmem:s11+$0x8C20] =	vst v0;
	(pc) =	sbr.rel @p0 .LBB2_6-.Ltmp4, $4  }
0x39: {  	[tilespmem:s11+$0x8C30] =	vst v0  }
0x3a: {  	[tilespmem:s11+$0x8C40] =	vst v0  }
0x3b: {  	[tilespmem:s11+$0x8C50] =	vst v0  }
0x3c: {  	[tilespmem:s11+$0x8C60] =	vst v0;
	s11 =	sshra.s32 s12, $0x2;
	s12 =	sadd.s32 $0x200, s12  }
0x3d: {  	[tilespmem:s11+$0x8C70] =	vst v0  }
0x3e: {  	[tilespmem:s11+$0x8C00] =	vst v0  }
0x3f: {  	[tilespmem:s11+$0x8C10] =	vst v0  }
0x40: {  	[tilespmem:s11+$0x8C20] =	vst v0  }
0x41: {  	[tilespmem:s11+$0x8C30] =	vst v0  }
0x42: {  	[tilespmem:s11+$0x8C40] =	vst v0  }
0x43: {  	[tilespmem:s11+$0x8C50] =	vst v0  }
0x44: {  	[tilespmem:s11+$0x8C60] =	vst v0;
	s11 =	simm.s32 $0x0;
	s12 =	simm.s32 $0x200  }
.LBB2_8:
0x45: {  	p0 =	sne.s32 s12, $0x4E00;
	[tilespmem:s11+$0xA070] =	vst v0  }
0x46: {  	[tilespmem:s11+$0xA000] =	vst v0  }
0x47: {  	[tilespmem:s11+$0xA010] =	vst v0  }
.Ltmp5:
0x48: {  	[tilespmem:s11+$0xA020] =	vst v0;
	(pc) =	sbr.rel @p0 .LBB2_8-.Ltmp5, $4  }
0x49: {  	[tilespmem:s11+$0xA030] =	vst v0  }
0x4a: {  	[tilespmem:s11+$0xA040] =	vst v0  }
0x4b: {  	[tilespmem:s11+$0xA050] =	vst v0  }
0x4c: {  	[tilespmem:s11+$0xA060] =	vst v0;
	s11 =	sshra.s32 s12, $0x2;
	s12 =	sadd.s32 $0x200, s12  }
0x4d: {  	[tilespmem:s11+$0xA070] =	vst v0  }
0x4e: {  	[tilespmem:s11+$0xA000] =	vst v0  }
0x4f: {  	[tilespmem:s11+$0xA010] =	vst v0  }
0x50: {  	[tilespmem:s11+$0xA020] =	vst v0  }
0x51: {  	[tilespmem:s11+$0xA030] =	vst v0  }
0x52: {  	[tilespmem:s11+$0xA040] =	vst v0  }
0x53: {  	[tilespmem:s11+$0xA050] =	vst v0  }
0x54: {  	[tilespmem:s11+$0xA060] =	vst v0;
	s11 =	simm.s32 $0x0;
	s12 =	simm.s32 $0x200  }
.LBB2_10:
0x55: {  	p0 =	sne.s32 s12, $0x4E00;
	[tilespmem:s11+$0xB470] =	vst v0  }
0x56: {  	[tilespmem:s11+$0xB400] =	vst v0  }
0x57: {  	[tilespmem:s11+$0xB410] =	vst v0  }
.Ltmp6:
0x58: {  	[tilespmem:s11+$0xB420] =	vst v0;
	(pc) =	sbr.rel @p0 .LBB2_10-.Ltmp6, $4  }
0x59: {  	[tilespmem:s11+$0xB430] =	vst v0  }
0x5a: {  	[tilespmem:s11+$0xB440] =	vst v0  }
0x5b: {  	[tilespmem:s11+$0xB450] =	vst v0  }
0x5c: {  	[tilespmem:s11+$0xB460] =	vst v0;
	s11 =	sshra.s32 s12, $0x2;
	s12 =	sadd.s32 $0x200, s12  }
0x5d: {  	[tilespmem:s11+$0xB470] =	vst v0  }
0x5e: {  	[tilespmem:s11+$0xB400] =	vst v0  }
0x5f: {  	[tilespmem:s11+$0xB410] =	vst v0  }
0x60: {  	[tilespmem:s11+$0xB420] =	vst v0  }
0x61: {  	[tilespmem:s11+$0xB430] =	vst v0  }
0x62: {  	[tilespmem:s11+$0xB440] =	vst v0  }
0x63: {  	[tilespmem:s11+$0xB450] =	vst v0  }
0x64: {  	[tilespmem:s11+$0xB460] =	vst v0;
	s11 =	simm.s32 $0x0;
	s12 =	simm.s32 $0x200  }
.LBB2_12:
0x65: {  	p0 =	sne.s32 s12, $0x4E00;
	[tilespmem:s11+$0xC870] =	vst v0  }
0x66: {  	[tilespmem:s11+$0xC800] =	vst v0  }
0x67: {  	[tilespmem:s11+$0xC810] =	vst v0  }
.Ltmp7:
0x68: {  	[tilespmem:s11+$0xC820] =	vst v0;
	(pc) =	sbr.rel @p0 .LBB2_12-.Ltmp7, $4  }
0x69: {  	[tilespmem:s11+$0xC830] =	vst v0  }
0x6a: {  	[tilespmem:s11+$0xC840] =	vst v0  }
0x6b: {  	[tilespmem:s11+$0xC850] =	vst v0  }
0x6c: {  	[tilespmem:s11+$0xC860] =	vst v0;
	s11 =	sshra.s32 s12, $0x2;
	s12 =	sadd.s32 $0x200, s12  }
0x6d: {  	[tilespmem:s11+$0xC870] =	vst v0  }
0x6e: {  	[tilespmem:s11+$0xC800] =	vst v0  }
0x6f: {  	[tilespmem:s11+$0xC810] =	vst v0  }
0x70: {  	[tilespmem:s11+$0xC820] =	vst v0  }
0x71: {  	[tilespmem:s11+$0xC830] =	vst v0  }
0x72: {  	[tilespmem:s11+$0xC840] =	vst v0  }
0x73: {  	[tilespmem:s11+$0xC850] =	vst v0  }
0x74: {  	[tilespmem:s11+$0xC860] =	vst v0;
	s12 =	simm.s32 $0x0;
	s11 =	simm.s32 $0x200  }
.LBB2_14:
0x75: {  	p0 =	sne.s32 s11, $0x4E00;
	[tilespmem:s12+$0xDC70] =	vst v0  }
0x76: {  	[tilespmem:s12+$0xDC00] =	vst v0  }
0x77: {  	[tilespmem:s12+$0xDC10] =	vst v0  }
.Ltmp8:
0x78: {  	[tilespmem:s12+$0xDC20] =	vst v0;
	(pc) =	sbr.rel @p0 .LBB2_14-.Ltmp8, $4  }
0x79: {  	[tilespmem:s12+$0xDC30] =	vst v0  }
0x7a: {  	[tilespmem:s12+$0xDC40] =	vst v0  }
0x7b: {  	[tilespmem:s12+$0xDC50] =	vst v0  }
0x7c: {  	[tilespmem:s12+$0xDC60] =	vst v0;
	s12 =	sshra.s32 s11, $0x2;
	s11 =	sadd.s32 $0x200, s11  }
0x7d: {  	[tilespmem:s12+$0xDC70] =	vst v0  }
0x7e: {  	[tilespmem:s12+$0xDC00] =	vst v0  }
0x7f: {  	[tilespmem:s12+$0xDC10] =	vst v0  }
0x80: {  	[tilespmem:s12+$0xDC20] =	vst v0  }
0x81: {  	[tilespmem:s12+$0xDC30] =	vst v0  }
0x82: {  	[tilespmem:s12+$0xDC40] =	vst v0  }
0x83: {  	[tilespmem:s12+$0xDC50] =	vst v0  }
0x84: {  	s11 =	simm.s32 $0x0;
	[tilespmem:s12+$0xDC60] =	vst v0;
	s12 =	simm.s32 $0x0;
	s13 =	simm.s32 $0x200  }
.LBB2_16:
0x85: {  	p0 =	sne.s32 s13, $0x4E00;
	[tilespmem:s12+$0xF070] =	vst v0  }
0x86: {  	[tilespmem:s12+$0xF000] =	vst v0  }
0x87: {  	[tilespmem:s12+$0xF010] =	vst v0  }
.Ltmp9:
0x88: {  	[tilespmem:s12+$0xF020] =	vst v0;
	(pc) =	sbr.rel @p0 .LBB2_16-.Ltmp9, $4  }
0x89: {  	[tilespmem:s12+$0xF030] =	vst v0  }
0x8a: {  	[tilespmem:s12+$0xF040] =	vst v0  }
0x8b: {  	[tilespmem:s12+$0xF050] =	vst v0  }
0x8c: {  	[tilespmem:s12+$0xF060] =	vst v0;
	s12 =	sshra.s32 s13, $0x2;
	s13 =	sadd.s32 $0x200, s13  }
0x8d: {  	[tilespmem:s12+$0xF070] =	vst v0  }
0x8e: {  	[tilespmem:s12+$0xF000] =	vst v0  }
0x8f: {  	[tilespmem:s12+$0xF010] =	vst v0  }
.Ltmp10:
0x90: {  	[tilespmem:s12+$0xF020] =	vst v0;
	(pc) =	sbr.rel .LBB2_18-.Ltmp10, $4  }
0x91: {  	[tilespmem:s12+$0xF030] =	vst v0  }
0x92: {  	[tilespmem:s12+$0xF040] =	vst v0  }
0x93: {  	[tilespmem:s12+$0xF050] =	vst v0  }
0x94: {  	[tilespmem:s12+$0xF060] =	vst v0;
	s12 =	simm.s32 $0x0  }
.LBB2_22:
0x95: {  	s14 =	smul.u32 $0x5000, s14  }
0x96: {  	s15 =	smul.u32 $0x320, s12  }
0x97: {  	s14 =	sshrl.u32 s14, $0x2  }
0x98: {  	s15 =	sshra.s32 s15, $0x2;
	s14 =	sadd.s32 $0x6400, s14  }
0x99: {  	[tilespmem:s14], [sflag:s13] =	stream.indirect.gather.add.f32 [hbm:s2], $0x80, s15, s8, $0xb8;
	[tilespmem:$0x14400] =	vst v63  }
0x9a: {  	s16 =	sadd.s32 $0x28, s15  }
0x9b: {  	[tilespmem:s14], [sflag:s13] =	stream.indirect.gather.add.f32 [hbm:s2], $0x80, s16, s8, $0xb8;
	[tilespmem:$0x14400] =	vst v63  }
0x9c: {  	s30 =	sadd.s32 $0x50, s15  }
0x9d: {  	[tilespmem:s14], [sflag:s13] =	stream.indirect.gather.add.f32 [hbm:s2], $0x80, s30, s8, $0xb8;
	[tilespmem:$0x14400] =	vst v63  }
0x9e: {  	s31 =	sadd.s32 $0x78, s15  }
0x9f: {  	[tilespmem:s14], [sflag:s13] =	stream.indirect.gather.add.f32 [hbm:s2], $0x80, s31, s8, $0xb8;
	[tilespmem:$0x14400] =	vst v63  }
0xa0: {  	s15 =	sadd.s32 $0xA0, s15  }
0xa1: {  	[tilespmem:s14], [sflag:s13] =	stream.indirect.gather.add.f32 [hbm:s2], $0x80, s15, s8, $0xb8;
	[tilespmem:$0x14400] =	vst v63  }
.LBB2_23:
0xa2: {  	s12 =	sadd.s32 $0x1, s12  }
0xa3: {  	p0 =	sne.s32 s12, $0x88  }
.Ltmp11:
0xa4: {  	_ = 	snop;
	(pc) =	sbr.rel @!p0 .LBB2_24-.Ltmp11, $2  }
0xa5: {  	_ =	sdelay $0x2  }
0xa6: {  	s11 =	sadd.s32 $0x1, s11  }
.LBB2_18:
0xa7: {  	p0 =	slt.u32 s12, $0x8  }
.Ltmp12:
0xa8: {  	_ = 	snop;
	(pc) =	sbr.rel @p0 .LBB2_22-.Ltmp12, $3  }
0xa9: {  	_ =	sdelay $0x1  }
0xaa: {  	s14 =	sand.u32 $0x7, s12  }
0xab: {  	s13 =	sadd.s32 $0x1, s14  }
0xac: {  	_ =	swait.ge [sflag:s13], $0x1400  }
0xad: {  	[sflag:s13] =	ssyncset.done $0x0  }
0xae: {  	[sflag:s13] =	ssyncadd.s32 $0xFFFFEC00  }
0xaf: {  	_ =	swait.ge [sflag:s13], $0x1400  }
0xb0: {  	[sflag:s13] =	ssyncset.done $0x0  }
0xb1: {  	s15 =	sand.u32 $0x7, s11;
	[sflag:s13] =	ssyncadd.s32 $0xFFFFEC00  }
0xb2: {  	s15 =	smul.u32 $0x5000, s15;
	_ =	swait.ge [sflag:s13], $0x1400  }
0xb3: {  	[sflag:s13] =	ssyncset.done $0x0  }
0xb4: {  	s15 =	sshrl.u32 s15, $0x2;
	[sflag:s13] =	ssyncadd.s32 $0xFFFFEC00  }
0xb5: {  	s15 =	sadd.s32 $0x6440, s15;
	_ =	swait.ge [sflag:s13], $0x1400  }
0xb6: {  	v1 =	vmov s15;
	[sflag:s13] =	ssyncset.done $0x0  }
0xb7: {  	[sflag:s13] =	ssyncadd.s32 $0xFFFFEC00  }
0xb8: {  	_ =	swait.ge [sflag:s13], $0x1400  }
0xb9: {  	[sflag:s13] =	ssyncset.done $0x0  }
0xba: {  	s15 =	simm.s32 $0x0;
	[sflag:s13] =	ssyncadd.s32 $0xFFFFEC00  }
0xbb: {  	v3 =	vld.idx.msk [tilespmem:v1+s15+$0xFFFFFFF0 ss:$0x1], $0xffff  }
0xbc: {  	v5 =	vld.idx.msk [tilespmem:v1+s15+$0x20 ss:$0x1], $0xffff  }
0xbd: {  	v11 =	vld.idx.msk [tilespmem:v1+s15+$0x10 ss:$0x1], $0xffff  }
0xbe: {  	v14 =	vld.idx.msk [tilespmem:v1+s15+$0xFFFFFFC0 ss:$0x1], $0xffff  }
0xbf: {  	v15 =	vld.idx.msk [tilespmem:v1+s15+$0x0 ss:$0x1], $0xffff  }
0xc0: {  	v2 =	vimm.f32 $0.0e+00;
	v8 =	vimm.f32 $0.0e+00;
	v9 =	vld.idx.msk [tilespmem:v1+s15+$0x30 ss:$0x1], $0xffff  }
0xc1: {  	v6 =	vimm.f32 $0.0e+00;
	v7 =	vimm.f32 $0.0e+00;
	v10 =	vimm.f32 $0.0e+00;
	v12 =	vld.idx.msk [tilespmem:v1+s15+$0xFFFFFFE0 ss:$0x1], $0xffff  }
0xc2: {  	s16 =	simm.s32 $0x200;
	v13 =	vld.idx.msk [tilespmem:v1+s15+$0xFFFFFFD0 ss:$0x1], $0xffff;
	[tilespmem:v1+s15+$0xFFFFFFC0 ss:$0x1] =	vst.idx.msk $0xffff, v0;
	v4 =	vadd.f32 v3, v2;
	v3 =	vadd.f32 v5, v2;
	v5 =	vimm.f32 $0.0e+00  }
.LBB2_20:
0xc3: {  	p0 =	sne.s32 s16, $0x4E00;
	v2 =	vadd.f32 v11, v2;
	[tilespmem:v1+s15+$0xFFFFFFD0 ss:$0x1] =	vst.idx.msk $0xffff, v0  }
0xc4: {  	v5 =	vadd.f32 v15, v5;
	[tilespmem:v1+s15+$0xFFFFFFE0 ss:$0x1] =	vst.idx.msk $0xffff, v0  }
0xc5: {  	v8 =	vadd.f32 v14, v8;
	[tilespmem:v1+s15+$0xFFFFFFF0 ss:$0x1] =	vst.idx.msk $0xffff, v0  }
0xc6: {  	v6 =	vadd.f32 v9, v6;
	[tilespmem:v1+s15+$0x0 ss:$0x1] =	vst.idx.msk $0xffff, v0  }
0xc7: {  	v7 =	vadd.f32 v12, v7;
	[tilespmem:v1+s15+$0x10 ss:$0x1] =	vst.idx.msk $0xffff, v0  }
0xc8: {  	s17 =	sshra.s32 s16, $0x2;
	v10 =	vadd.f32 v13, v10;
	[tilespmem:v1+s15+$0x20 ss:$0x1] =	vst.idx.msk $0xffff, v0  }
0xc9: {  	v13 =	vld.idx.msk [tilespmem:v1+s17+$0xFFFFFFF0 ss:$0x1], $0xffff;
	[tilespmem:v1+s15+$0x30 ss:$0x1] =	vst.idx.msk $0xffff, v0;
	s15 =	smov.u32 s17  }
0xca: {  	v16 =	vld.idx.msk [tilespmem:v1+s15+$0x20 ss:$0x1], $0xffff  }
0xcb: {  	v11 =	vld.idx.msk [tilespmem:v1+s15+$0x10 ss:$0x1], $0xffff  }
.Ltmp13:
0xcc: {  	v15 =	vld.idx.msk [tilespmem:v1+s15+$0x0 ss:$0x1], $0xffff;
	(pc) =	sbr.rel @p0 .LBB2_20-.Ltmp13, $4  }
0xcd: {  	v14 =	vld.idx.msk [tilespmem:v1+s15+$0xFFFFFFC0 ss:$0x1], $0xffff  }
0xce: {  	v9 =	vld.idx.msk [tilespmem:v1+s15+$0x30 ss:$0x1], $0xffff  }
0xcf: {  	v4 =	vadd.f32 v13, v4;
	v12 =	vld.idx.msk [tilespmem:v1+s15+$0xFFFFFFE0 ss:$0x1], $0xffff  }
0xd0: {  	s16 =	sadd.s32 $0x200, s16;
	v3 =	vadd.f32 v16, v3;
	v13 =	vld.idx.msk [tilespmem:v1+s15+$0xFFFFFFD0 ss:$0x1], $0xffff;
	[tilespmem:v1+s15+$0xFFFFFFC0 ss:$0x1] =	vst.idx.msk $0xffff, v0  }
0xd1: {  	_ =	sdelay $0x3  }
0xd2: {  	[tilespmem:v1+s15+$0xFFFFFFD0 ss:$0x1] =	vst.idx.msk $0xffff, v0  }
0xd3: {  	[tilespmem:v1+s15+$0xFFFFFFE0 ss:$0x1] =	vst.idx.msk $0xffff, v0  }
0xd4: {  	[tilespmem:v1+s15+$0xFFFFFFF0 ss:$0x1] =	vst.idx.msk $0xffff, v0  }
0xd5: {  	[tilespmem:v1+s15+$0x0 ss:$0x1] =	vst.idx.msk $0xffff, v0  }
0xd6: {  	[tilespmem:v1+s15+$0x10 ss:$0x1] =	vst.idx.msk $0xffff, v0  }
0xd7: {  	s16 =	sshll.u32 s12, $0x7;
	v8 =	vadd.f32 v14, v8;
	[tilespmem:v1+s15+$0x20 ss:$0x1] =	vst.idx.msk $0xffff, v0  }
0xd8: {  	s31 =	sand.u32 $0x3FFFFF80, s16;
	v7 =	vadd.f32 v12, v7;
	[tilespmem:v1+s15+$0x30 ss:$0x1] =	vst.idx.msk $0xffff, v0  }
0xd9: {  	[tilespmem:s31+$0x10000] =	vst v8  }
0xda: {  	v1 =	vadd.f32 v13, v10;
	[tilespmem:s31+$0x10020] =	vst v7  }
0xdb: {  	v2 =	vadd.f32 v11, v2;
	p0 =	sgt.u32 s12, $0x7F;
	[tilespmem:s31+$0x10030] =	vst v4  }
.Ltmp14:
0xdc: {  	[tilespmem:s31+$0x10010] =	vst v1;
	v1 =	vadd.f32 v15, v5;
	(pc) =	sbr.rel @p0 .LBB2_23-.Ltmp14, $4  }
.Ltmp15:
0xdd: {  	[tilespmem:s31+$0x10050] =	vst v2;
	(pc) =	sbr.rel @!p0 .LBB2_22-.Ltmp15, $4  }
0xde: {  	[tilespmem:s31+$0x10040] =	vst v1;
	v1 =	vadd.f32 v9, v6  }
0xdf: {  	[tilespmem:s31+$0x10060] =	vst v3  }
0xe0: {  	[tilespmem:s31+$0x10070] =	vst v1  }
0xe1: {  	_ = 	snop  }
.LBB2_25:
0xe2: {  	_ =	sfence.sel $0x180000  }
0xe3: {  	[bflag:$0x0] =	sbarrier.arrive $0xFFFF  }
0xe4: {  	p0 =	sne.s32 s0, $0x0;
	_ =	strace $0x90000047  }
0xe5: {  	s0 =	sadd.s32 @!p0 $0x100000, s1;
	[bflag:$0x2] =	sbarrier.arrive $0xFFFF  }
0xe6: {  	[sflag:s0] =	ssyncadd.tile.s32 @!p0 $0x1;
	_ =	shalt  }
.Lfunc_end2:
_tile_overlayer_lowered:
.L_overlay_start_2:
0xe7: {  	(tag) =	ssettag $0x2  }
0xe8: {  	s0 =	rddreg [dreg:$0x0];
	s2 =	stileid.u32  }
0xe9: {  	s1 =	rddreg [dreg:$0x1];
	p0 =	sne.s32 s2, $0x0  }
0xea: {  	s3 =	rddreg [dreg:$0x2];
	[bflag:$0x3] =	sbarrier.arrive $0xFFFF;
	s2 =	simm.s32 @!p0 $0x1C09  }
0xeb: {  	[timem:s3], [sflag:s2] =	dma.local @!p0 [hbm:s0], s1  }
0xec: {  	s0 =	simm.s32 @!p0 $0x9  }
0xed: {  	_ =	swait.ge @!p0 [sflag:s0], s1  }
0xee: {  	s1 =	ssub.s32 @!p0 $0x0, s1;
	[sflag:s0] =	ssyncset.done @!p0 $0x0  }
0xef: {  	[sflag:s0] =	ssyncadd.s32 @!p0 s1  }
0xf0: {  	[bflag:$0x3] =	sbarrier.arrive $0xFFFF  }
0xf1: {  	_ =	shalt  }

</sc_bundles>
